<compile_context>
chip_gen: v7x
topology: tpu7x:2x2x1
jax: 0.10.2.dev20260603
libtpu: 0.0.44.dev20260713+nightly
codegen_flags: <defaults>
</compile_context>

<pallas_src>
import jax
import jax.numpy as jnp
import numpy as np
from jax import lax
from jax.experimental import pallas as pl
from jax.experimental.pallas import tpu as pltpu
from jax.experimental.pallas import tpu_sc as plsc

N = 10000
T = 1000
K_LOC = 5
K_REG = 15
N_CLUSTERS = 5
PERIODS = (0.25, 0.5, 1.0, 2.0)

N_SB = 10
N_CG = 3
CH_PER_G = 4
N_CH = 12
LANES = 16
NB = N // N_SB
N_CHUNKS = 63


def _prep_body(amp_t_ref, ph_t_ref, lab_t_ref, feat_ref, seg_ref):
    amp_t = amp_t_ref[:, :]
    ph_t = ph_t_ref[:, :]
    feat_t = jnp.concatenate(
        [amp_t, jnp.cos(ph_t), jnp.sin(ph_t), ph_t], axis=0)
    feat_ref[:, :] = feat_t
    lab = lab_t_ref[:, :]
    aug_t = jnp.concatenate([feat_t[:N_CH], jnp.ones((1, N), jnp.float32)],
                            axis=0)
    for c in range(N_CLUSTERS):
        m = (lab == c).astype(jnp.float32)
        seg_ref[c, :] = jnp.sum(aug_t * m, axis=1)


def _prep(amp_t, ph_t, lab_t):
    return pl.pallas_call(
        _prep_body,
        compiler_params=pltpu.CompilerParams(vmem_limit_bytes=62 * 2**20),
        out_shape=[
            jax.ShapeDtypeStruct((16, N), jnp.float32),
            jax.ShapeDtypeStruct((N_CLUSTERS, N_CH + 1), jnp.float32),
        ],
    )(amp_t, ph_t, lab_t)


def _mp_body(feat_hbm, lidx_hbm, lw_hbm, ridx_hbm, rw_hbm,
             loc_hbm, reg_hbm,
             feat_v, lidx_v, lw_v, ridx_v, rw_v, locacc, regacc):
    cid = lax.axis_index("c")
    sid = lax.axis_index("s")
    wid = sid * 2 + cid

    @pl.when(wid < N_SB * N_CG)
    def _work():
        cg = wid % N_CG
        sb = wid // N_CG
        base = sb * NB

        pltpu.sync_copy(feat_hbm.at[pl.ds(cg * CH_PER_G, CH_PER_G), :], feat_v)
        pltpu.sync_copy(lidx_hbm.at[pl.ds(base, NB), :], lidx_v)
        pltpu.sync_copy(lw_hbm.at[pl.ds(base, NB), :], lw_v)
        pltpu.sync_copy(ridx_hbm.at[pl.ds(base, NB), :], ridx_v)
        pltpu.sync_copy(rw_hbm.at[pl.ds(base, NB), :], rw_v)

        chv = [jnp.full((LANES,), ch, jnp.int32) for ch in range(CH_PER_G)]
        lkv = [jnp.full((LANES,), k, jnp.int32) for k in range(K_LOC)]
        rkv = [jnp.full((LANES,), k, jnp.int32) for k in range(K_REG)]
        lane = lax.iota(jnp.int32, LANES)

        def chunk(ci, _):
            off = jnp.minimum(ci * LANES, NB - LANES)
            sidv = lane + off
            livs = [plsc.load_gather(lidx_v, [sidv, lkv[k]]) for k in range(K_LOC)]
            lwvs = [plsc.load_gather(lw_v, [sidv, lkv[k]]) for k in range(K_LOC)]
            for ch in range(CH_PER_G):
                acc = jnp.zeros((LANES,), jnp.float32)
                for k in range(K_LOC):
                    acc = acc + lwvs[k] * plsc.load_gather(feat_v, [chv[ch], livs[k]])
                locacc[ch, pl.ds(off, LANES)] = acc
            rivs = [plsc.load_gather(ridx_v, [sidv, rkv[k]]) for k in range(K_REG)]
            rwvs = [plsc.load_gather(rw_v, [sidv, rkv[k]]) for k in range(K_REG)]
            for ch in range(CH_PER_G):
                acc = jnp.zeros((LANES,), jnp.float32)
                for k in range(K_REG):
                    acc = acc + rwvs[k] * plsc.load_gather(feat_v, [chv[ch], rivs[k]])
                regacc[ch, pl.ds(off, LANES)] = acc
            return 0

        lax.fori_loop(0, N_CHUNKS, chunk, 0)

        pltpu.sync_copy(locacc, loc_hbm.at[pl.ds(cg * CH_PER_G, CH_PER_G), pl.ds(base, NB)])
        pltpu.sync_copy(regacc, reg_hbm.at[pl.ds(cg * CH_PER_G, CH_PER_G), pl.ds(base, NB)])


def _message_pass(feat_t, lidx, lw, ridx, rw):
    mesh = plsc.VectorSubcoreMesh(
        core_axis_name="c", subcore_axis_name="s", num_cores=2, num_subcores=16)
    fn = pl.kernel(
        _mp_body,
        out_type=[
            jax.ShapeDtypeStruct((N_CH, N), jnp.float32),
            jax.ShapeDtypeStruct((N_CH, N), jnp.float32),
        ],
        mesh=mesh,
        compiler_params=pltpu.CompilerParams(
            use_tc_tiling_on_sc=False, needs_layout_passes=False),
        scratch_types=[
            pltpu.VMEM((CH_PER_G, N), jnp.float32),
            pltpu.VMEM((NB, K_LOC), jnp.int32),
            pltpu.VMEM((NB, K_LOC), jnp.float32),
            pltpu.VMEM((NB, K_REG), jnp.int32),
            pltpu.VMEM((NB, K_REG), jnp.float32),
            pltpu.VMEM((CH_PER_G, NB), jnp.float32),
            pltpu.VMEM((CH_PER_G, NB), jnp.float32),
        ],
    )
    return fn(feat_t, lidx, lw, ridx, rw)


TB = 200


def _signal_body(t_ref, feat_ref, loc_ref, reg_ref, lab_t_ref, seg_ref,
                 trend_ref, off_ref, out_ref, cmat_v):
    @pl.when(pl.program_id(0) == 0)
    def _build_c():
        lab = lab_t_ref[:, :]
        seg = seg_ref[:, :]
        clu = [jnp.zeros((1, N), jnp.float32) for _ in range(N_CH)]
        for c in range(N_CLUSTERS):
            sel = (lab == c).astype(jnp.float32)
            cnt = jnp.maximum(seg[c, N_CH], 1.0)
            for ch in range(N_CH):
                clu[ch] = clu[ch] + sel * (seg[c, ch] / cnt)
        rows = [off_ref[:, :], trend_ref[:, :]]
        arows = []
        brows = []
        for i in range(4):
            la = loc_ref[i:i + 1, :]
            lc = loc_ref[4 + i:5 + i, :]
            ls = loc_ref[8 + i:9 + i, :]
            ra = reg_ref[i:i + 1, :]
            rc = reg_ref[4 + i:5 + i, :]
            rs = reg_ref[8 + i:9 + i, :]
            amp_comb = 0.5 * la + 0.3 * ra + 0.2 * clu[i]
            ph_comb = (0.5 * jnp.arctan2(ls, lc)
                       + 0.3 * jnp.arctan2(rs, rc)
                       + 0.2 * jnp.arctan2(clu[8 + i], clu[4 + i]))
            amp_new = 0.7 * feat_ref[i:i + 1, :] + 0.3 * amp_comb
            ph_new = 0.7 * feat_ref[12 + i:13 + i, :] + 0.3 * ph_comb
            arows.append(amp_new * jnp.cos(ph_new))
            brows.append(amp_new * jnp.sin(ph_new))
        cmat_v[:, :] = jnp.concatenate(rows + arows + brows, axis=0)

    tcol = t_ref[:, :]
    c = cmat_v[:, :]
    cols = [jnp.ones((TB, 1), jnp.float32), tcol]
    cols += [jnp.sin((2.0 * np.pi / p) * tcol) for p in PERIODS]
    cols += [jnp.cos((2.0 * np.pi / p) * tcol) for p in PERIODS]
    basis = jnp.concatenate(cols, axis=1)
    out_ref[:, :] = jax.lax.dot_general(
        basis, c, (((1,), (0,)), ((), ())),
        preferred_element_type=jnp.float32)


def _signal(t_col, feat_t, loc_t, reg_t, lab_t, seg, trend, off):
    return pl.pallas_call(
        _signal_body,
        grid=(T // TB,),
        in_specs=[
            pl.BlockSpec((TB, 1), lambda i: (i, 0)),
            pl.BlockSpec((16, N), lambda i: (0, 0)),
            pl.BlockSpec((N_CH, N), lambda i: (0, 0)),
            pl.BlockSpec((N_CH, N), lambda i: (0, 0)),
            pl.BlockSpec((1, N), lambda i: (0, 0)),
            pl.BlockSpec((N_CLUSTERS, N_CH + 1), lambda i: (0, 0)),
            pl.BlockSpec((1, N), lambda i: (0, 0)),
            pl.BlockSpec((1, N), lambda i: (0, 0)),
        ],
        out_specs=pl.BlockSpec((TB, N), lambda i: (i, 0)),
        out_shape=jax.ShapeDtypeStruct((T, N), jnp.float32),
        scratch_shapes=[pltpu.VMEM((10, N), jnp.float32)],
        compiler_params=pltpu.CompilerParams(vmem_limit_bytes=62 * 2**20),
    )(t_col, feat_t, loc_t, reg_t, lab_t, seg, trend, off)


def kernel(time_vector, linear_trend, constant_offset, seasonal_amplitudes,
           seasonal_phases, spatial_adaptation_weights, local_idx, local_w,
           regional_idx, regional_w, cluster_labels):
    del spatial_adaptation_weights
    lab_t = cluster_labels.astype(jnp.int32).reshape(1, N)

    feat_t, seg = _prep(seasonal_amplitudes.T, seasonal_phases.T, lab_t)

    loc_t, reg_t = _message_pass(feat_t, local_idx.astype(jnp.int32), local_w,
                                 regional_idx.astype(jnp.int32), regional_w)

    out_t = _signal(time_vector.reshape(T, 1), feat_t, loc_t, reg_t, lab_t,
                    seg, linear_trend.reshape(1, N), constant_offset.reshape(1, N))
    return out_t.T

# --- scband reference (transcript-rebuilt; emitter-appended) ---
"""Pipeline reference for scband-enhanced-spatial-in-sarmodel-85779086835994 (READ-ONLY COPY).

The authoritative reference and input builder live on the scoring server;
editing this copy changes nothing except your own understanding.
"""

import jax, jax.numpy as jnp
import numpy as np

N_STATIONS = 10000
N_TIMEPOINTS = 1000
PERIODS = np.array([0.25, 0.5, 1.0, 2.0], dtype=np.float32)
N_CLUSTERS = 5  # min(5, max(3, n_stations // 20))


def _knn_numpy(coords, k):
    N = coords.shape[0]
    sq = (coords ** 2).sum(1)
    idx = np.zeros((N, k), dtype=np.int64)
    dist = np.zeros((N, k), dtype=np.float32)
    chunk = 2048
    for s in range(0, N, chunk):
        e = min(s + chunk, N)
        d2 = sq[s:e, None] + sq[None, :] - 2.0 * coords[s:e] @ coords.T
        np.maximum(d2, 0.0, out=d2)
        part = np.argpartition(d2, k + 1, axis=1)[:, :k + 1]
        pd = np.take_along_axis(d2, part, axis=1)
        order = np.argsort(pd, axis=1)
        part = np.take_along_axis(part, order, axis=1)
        pd = np.take_along_axis(pd, order, axis=1)
        idx[s:e] = part[:, 1:k + 1]
        dist[s:e] = np.sqrt(pd[:, 1:k + 1])
    return idx, dist


def _adaptive_weights(distances, scale_factor):
    w = np.exp(-distances / distances.mean() * scale_factor)
    w = w / (w.sum(axis=1, keepdims=True) + 1e-6)
    return w.astype(np.float32)


def _kmeans(X, k, iters=25, seed=42):
    rng = np.random.default_rng(seed)
    cent = X[rng.choice(X.shape[0], k, replace=False)].copy()
    for _ in range(iters):
        d = ((X[:, None, :] - cent[None, :, :]) ** 2).sum(-1)
        lab = d.argmin(1)
        for c in range(k):
            m = lab == c
            if m.any():
                cent[c] = X[m].mean(0)
    return lab.astype(np.int64)


def setup_inputs(seed: int = 0):
    key = jax.random.key(seed)
    rng = np.random.default_rng(0)
    coords = rng.uniform(0.0, 100.0, size=(N_STATIONS, 2)).astype(np.float32)
    linear_trend = (rng.standard_normal(N_STATIONS) * 10.0).astype(np.float32)
    local_idx, local_dist = _knn_numpy(coords, 5)
    regional_idx, regional_dist = _knn_numpy(coords, 15)
    local_w = _adaptive_weights(local_dist, 2.0)
    regional_w = _adaptive_weights(regional_dist, 1.0)
    feats = np.column_stack([coords, linear_trend]).astype(np.float64)
    feats = (feats - feats.mean(0)) / (feats.std(0) + 1e-12)
    labels = _kmeans(feats, N_CLUSTERS)
    k1 = jax.random.fold_in(key, 1)
    return {
        "time_vector": jax.random.uniform(key, (N_TIMEPOINTS,), dtype=jnp.float32) * 5.0,
        "linear_trend": jnp.asarray(linear_trend),
        "constant_offset": jnp.zeros((N_STATIONS,), dtype=jnp.float32),
        "seasonal_amplitudes": jnp.ones((N_STATIONS, 4), dtype=jnp.float32) * 3.0,
        "seasonal_phases": jax.random.uniform(k1, (N_STATIONS, 4), dtype=jnp.float32) * 2.0 * np.pi,
        "spatial_adaptation_weights": jnp.ones((N_STATIONS,), dtype=jnp.float32),
        "local_idx": jnp.asarray(local_idx),
        "local_w": jnp.asarray(local_w),
        "regional_idx": jnp.asarray(regional_idx),
        "regional_w": jnp.asarray(regional_w),
        "cluster_labels": jnp.asarray(labels),
    }


def _mp(param, idx, w, is_phase):
    nv = param[idx]  # gather: [N, k]
    if is_phase:
        c = jnp.sum(jnp.cos(nv) * w, axis=1)
        s = jnp.sum(jnp.sin(nv) * w, axis=1)
        return jnp.arctan2(s, c)  # == angle of weighted complex sum
    return jnp.sum(nv * w, axis=1)


def _cluster_mp(param, labels, is_phase):
    if is_phase:
        c = jax.ops.segment_sum(jnp.cos(param), labels, num_segments=N_CLUSTERS)
        s = jax.ops.segment_sum(jnp.sin(param), labels, num_segments=N_CLUSTERS)
        return jnp.arctan2(s, c)[labels]
    sums = jax.ops.segment_sum(param, labels, num_segments=N_CLUSTERS)
    cnts = jax.ops.segment_sum(jnp.ones_like(param), labels, num_segments=N_CLUSTERS)
    return (sums / jnp.maximum(cnts, 1.0))[labels]


def _spatial_message_passing(param, is_phase, li, lw, ri, rw, labels, adapt):
    _ = jax.nn.softmax(adapt)  # computed but unused, as in original torch code
    local = _mp(param, li, lw, is_phase)
    regional = _mp(param, ri, rw, is_phase)
    cluster = _cluster_mp(param, labels, is_phase)
    combined = 0.5 * local + 0.3 * regional + 0.2 * cluster
    return 0.7 * param + 0.3 * combined


def reference(time_vector, linear_trend, constant_offset, seasonal_amplitudes, seasonal_phases, spatial_adaptation_weights, local_idx, local_w, regional_idx, regional_w, cluster_labels):
    t = time_vector[None, :]
    signals = constant_offset[:, None] + linear_trend[:, None] * t
    for i in range(4):
        amp = _spatial_message_passing(seasonal_amplitudes[:, i], False, local_idx, local_w, regional_idx, regional_w, cluster_labels, spatial_adaptation_weights)
        ph = _spatial_message_passing(seasonal_phases[:, i], True, local_idx, local_w, regional_idx, regional_w, cluster_labels, spatial_adaptation_weights)
        freq = 1.0 / PERIODS[i]
        signals = signals + amp[:, None] * jnp.sin(2.0 * np.pi * freq * t + ph[:, None])
    return signals

if __name__ == "__main__":
    import jax
    _d = setup_inputs()
    print(jax.jit(kernel)(*tuple(_d.values())))

</pallas_src>

<mosaic_0001>
#map = affine_map<(d0, d1) -> (0, 0)>
module attributes {stable_mosaic.version = 14 : i64} {
  func.func @_mp_body(%arg0: i32, %arg1: i32, %arg2: memref<16x10000xf32, #tpu.memory_space<hbm>>, %arg3: memref<10000x5xi32, #tpu.memory_space<hbm>>, %arg4: memref<10000x5xf32, #tpu.memory_space<hbm>>, %arg5: memref<10000x15xi32, #tpu.memory_space<hbm>>, %arg6: memref<10000x15xf32, #tpu.memory_space<hbm>>, %arg7: memref<12x10000xf32, #tpu.memory_space<hbm>>, %arg8: memref<12x10000xf32, #tpu.memory_space<hbm>>, %arg9: memref<4x10000xf32, #tpu.memory_space<vmem>>, %arg10: memref<1000x5xi32, #tpu.memory_space<vmem>>, %arg11: memref<1000x5xf32, #tpu.memory_space<vmem>>, %arg12: memref<1000x15xi32, #tpu.memory_space<vmem>>, %arg13: memref<1000x15xf32, #tpu.memory_space<vmem>>, %arg14: memref<4x1000xf32, #tpu.memory_space<vmem>>, %arg15: memref<4x1000xf32, #tpu.memory_space<vmem>>) attributes {dimension_semantics = [#tpu.dimension_semantics<core_parallel>, #tpu.dimension_semantics<subcore_parallel>], iteration_bounds = array<i64: 2, 16>, scalar_prefetch = 0 : i64, scratch_operands = 7 : i64, tpu.core_type = #tpu.core_type<sc_vector_subcore>, window_params = [{transform_indices = #map}, {transform_indices = #map}, {transform_indices = #map}, {transform_indices = #map}, {transform_indices = #map}, {transform_indices = #map}, {transform_indices = #map}]} {
    %mul3A = arith.constant 2 : i32
    %mul3A_0 = arith.muli %arg1, %mul3A : i32
    %add3A = arith.addi %mul3A_0, %arg0 : i32
    %lt3A = arith.constant 30 : i32
    %lt3A_1 = arith.cmpi slt, %add3A, %lt3A : i32
    %convert_element_type3A = arith.extui %lt3A_1 : i1 to i32
    %cond3A = arith.constant 0 : i32
    %cond3A_2 = arith.cmpi ne, %convert_element_type3A, %cond3A : i32
    scf.if %cond3A_2 {
      %jit3A = arith.constant 3 : i32
      %eq3A = arith.constant 0 : i32
      %eq3A_3 = arith.cmpi eq, %jit3A, %eq3A : i32
      %jit3A_4 = arith.constant 1 : i32
      %select_n3A = arith.select %eq3A_3, %jit3A_4, %jit3A : i32
      %rem3A = arith.remsi %add3A, %select_n3A : i32
      %ne3A = arith.constant 0 : i32
      %ne3A_5 = arith.cmpi ne, %rem3A, %ne3A : i32
      %lt3A_6 = arith.constant 0 : i32
      %lt3A_7 = arith.cmpi slt, %rem3A, %lt3A_6 : i32
      %lt3A_8 = arith.constant 0 : i32
      %lt3A_9 = arith.cmpi slt, %select_n3A, %lt3A_8 : i32
      %ne3A_10 = arith.xori %lt3A_7, %lt3A_9 : i1
      %and3A = arith.andi %ne3A_10, %ne3A_5 : i1
      %add3A_11 = arith.addi %rem3A, %select_n3A : i32
      %select_n3A_12 = arith.select %and3A, %add3A_11, %rem3A : i32
      %jit3A_13 = arith.constant 3 : i32
      %div3A = arith.divsi %add3A, %jit3A_13 : i32
      %sign3A = arith.constant 0 : i32
      %sign3A_14 = arith.cmpi sgt, %add3A, %sign3A : i32
      %sign3A_15 = arith.extui %sign3A_14 : i1 to i32
      %sign3A_16 = arith.constant 0 : i32
      %sign3A_17 = arith.cmpi slt, %add3A, %sign3A_16 : i32
      %sign3A_18 = arith.extui %sign3A_17 : i1 to i32
      %sign3A_19 = arith.subi %sign3A_15, %sign3A_18 : i32
      %sign3A_20 = arith.constant 0 : i32
      %sign3A_21 = arith.cmpi sgt, %jit3A_13, %sign3A_20 : i32
      %sign3A_22 = arith.extui %sign3A_21 : i1 to i32
      %sign3A_23 = arith.constant 0 : i32
      %sign3A_24 = arith.cmpi slt, %jit3A_13, %sign3A_23 : i32
      %sign3A_25 = arith.extui %sign3A_24 : i1 to i32
      %sign3A_26 = arith.subi %sign3A_22, %sign3A_25 : i32
      %ne3A_27 = arith.cmpi ne, %sign3A_19, %sign3A_26 : i32
      %rem3A_28 = arith.remsi %add3A, %jit3A_13 : i32
      %ne3A_29 = arith.constant 0 : i32
      %ne3A_30 = arith.cmpi ne, %rem3A_28, %ne3A_29 : i32
      %and3A_31 = arith.andi %ne3A_27, %ne3A_30 : i1
      %sub3A = arith.constant 1 : i32
      %sub3A_32 = arith.subi %div3A, %sub3A : i32
      %select_n3A_33 = arith.select %and3A_31, %sub3A_32, %div3A : i32
      %mul3A_34 = arith.constant 1000 : i32
      %mul3A_35 = arith.muli %select_n3A_33, %mul3A_34 : i32
      %mul3A_36 = arith.constant 4 : i32
      %mul3A_37 = arith.muli %select_n3A_12, %mul3A_36 : i32
      "tpu.region"() ({
        %run_scoped3A = tpu.sem_alloc : memref<!tpu.dma_semaphore, #tpu.memory_space<semaphore_mem>>
        %dma_start3A = arith.constant 0 : i32
        %dma_start3A_95 = tpu.memref_slice %arg2[%mul3A_37, %dma_start3A] : memref<16x10000xf32, #tpu.memory_space<hbm>> -> memref<4x10000xf32, #tpu.memory_space<hbm>>
        %dma_start3A_96 = arith.constant 0 : i32
        %dma_start3A_97 = tpu.memref_slice %arg2[%mul3A_37, %dma_start3A_96] : memref<16x10000xf32, #tpu.memory_space<hbm>> -> memref<4x10000xf32, #tpu.memory_space<hbm>>
        tpu.enqueue_dma source(%dma_start3A_97 : memref<4x10000xf32, #tpu.memory_space<hbm>>) target(%arg9 : memref<4x10000xf32, #tpu.memory_space<vmem>>) target_semaphore(%run_scoped3A : memref<!tpu.dma_semaphore, #tpu.memory_space<semaphore_mem>>)
        %dma_wait3A = arith.constant 0 : i32
        %dma_wait3A_98 = tpu.memref_slice %arg2[%mul3A_37, %dma_wait3A] : memref<16x10000xf32, #tpu.memory_space<hbm>> -> memref<4x10000xf32, #tpu.memory_space<hbm>>
        %dma_wait3A_99 = arith.constant 0 : i32
        %dma_wait3A_100 = tpu.memref_slice %arg2[%mul3A_37, %dma_wait3A_99] : memref<16x10000xf32, #tpu.memory_space<hbm>> -> memref<4x10000xf32, #tpu.memory_space<hbm>>
        tpu.wait_dma2 semaphore(%run_scoped3A : memref<!tpu.dma_semaphore, #tpu.memory_space<semaphore_mem>>) src(%dma_wait3A_100 : memref<4x10000xf32, #tpu.memory_space<hbm>>) dst(%arg9 : memref<4x10000xf32, #tpu.memory_space<vmem>>)
        tpu.yield
      }) : () -> ()
      "tpu.region"() ({
        %run_scoped3A = tpu.sem_alloc : memref<!tpu.dma_semaphore, #tpu.memory_space<semaphore_mem>>
        %dma_start3A = arith.constant 0 : i32
        %dma_start3A_95 = tpu.memref_slice %arg3[%mul3A_35, %dma_start3A] : memref<10000x5xi32, #tpu.memory_space<hbm>> -> memref<1000x5xi32, #tpu.memory_space<hbm>>
        %dma_start3A_96 = arith.constant 0 : i32
        %dma_start3A_97 = tpu.memref_slice %arg3[%mul3A_35, %dma_start3A_96] : memref<10000x5xi32, #tpu.memory_space<hbm>> -> memref<1000x5xi32, #tpu.memory_space<hbm>>
        tpu.enqueue_dma source(%dma_start3A_97 : memref<1000x5xi32, #tpu.memory_space<hbm>>) target(%arg10 : memref<1000x5xi32, #tpu.memory_space<vmem>>) target_semaphore(%run_scoped3A : memref<!tpu.dma_semaphore, #tpu.memory_space<semaphore_mem>>)
        %dma_wait3A = arith.constant 0 : i32
        %dma_wait3A_98 = tpu.memref_slice %arg3[%mul3A_35, %dma_wait3A] : memref<10000x5xi32, #tpu.memory_space<hbm>> -> memref<1000x5xi32, #tpu.memory_space<hbm>>
        %dma_wait3A_99 = arith.constant 0 : i32
        %dma_wait3A_100 = tpu.memref_slice %arg3[%mul3A_35, %dma_wait3A_99] : memref<10000x5xi32, #tpu.memory_space<hbm>> -> memref<1000x5xi32, #tpu.memory_space<hbm>>
        tpu.wait_dma2 semaphore(%run_scoped3A : memref<!tpu.dma_semaphore, #tpu.memory_space<semaphore_mem>>) src(%dma_wait3A_100 : memref<1000x5xi32, #tpu.memory_space<hbm>>) dst(%arg10 : memref<1000x5xi32, #tpu.memory_space<vmem>>)
        tpu.yield
      }) : () -> ()
      "tpu.region"() ({
        %run_scoped3A = tpu.sem_alloc : memref<!tpu.dma_semaphore, #tpu.memory_space<semaphore_mem>>
        %dma_start3A = arith.constant 0 : i32
        %dma_start3A_95 = tpu.memref_slice %arg4[%mul3A_35, %dma_start3A] : memref<10000x5xf32, #tpu.memory_space<hbm>> -> memref<1000x5xf32, #tpu.memory_space<hbm>>
        %dma_start3A_96 = arith.constant 0 : i32
        %dma_start3A_97 = tpu.memref_slice %arg4[%mul3A_35, %dma_start3A_96] : memref<10000x5xf32, #tpu.memory_space<hbm>> -> memref<1000x5xf32, #tpu.memory_space<hbm>>
        tpu.enqueue_dma source(%dma_start3A_97 : memref<1000x5xf32, #tpu.memory_space<hbm>>) target(%arg11 : memref<1000x5xf32, #tpu.memory_space<vmem>>) target_semaphore(%run_scoped3A : memref<!tpu.dma_semaphore, #tpu.memory_space<semaphore_mem>>)
        %dma_wait3A = arith.constant 0 : i32
        %dma_wait3A_98 = tpu.memref_slice %arg4[%mul3A_35, %dma_wait3A] : memref<10000x5xf32, #tpu.memory_space<hbm>> -> memref<1000x5xf32, #tpu.memory_space<hbm>>
        %dma_wait3A_99 = arith.constant 0 : i32
        %dma_wait3A_100 = tpu.memref_slice %arg4[%mul3A_35, %dma_wait3A_99] : memref<10000x5xf32, #tpu.memory_space<hbm>> -> memref<1000x5xf32, #tpu.memory_space<hbm>>
        tpu.wait_dma2 semaphore(%run_scoped3A : memref<!tpu.dma_semaphore, #tpu.memory_space<semaphore_mem>>) src(%dma_wait3A_100 : memref<1000x5xf32, #tpu.memory_space<hbm>>) dst(%arg11 : memref<1000x5xf32, #tpu.memory_space<vmem>>)
        tpu.yield
      }) : () -> ()
      "tpu.region"() ({
        %run_scoped3A = tpu.sem_alloc : memref<!tpu.dma_semaphore, #tpu.memory_space<semaphore_mem>>
        %dma_start3A = arith.constant 0 : i32
        %dma_start3A_95 = tpu.memref_slice %arg5[%mul3A_35, %dma_start3A] : memref<10000x15xi32, #tpu.memory_space<hbm>> -> memref<1000x15xi32, #tpu.memory_space<hbm>>
        %dma_start3A_96 = arith.constant 0 : i32
        %dma_start3A_97 = tpu.memref_slice %arg5[%mul3A_35, %dma_start3A_96] : memref<10000x15xi32, #tpu.memory_space<hbm>> -> memref<1000x15xi32, #tpu.memory_space<hbm>>
        tpu.enqueue_dma source(%dma_start3A_97 : memref<1000x15xi32, #tpu.memory_space<hbm>>) target(%arg12 : memref<1000x15xi32, #tpu.memory_space<vmem>>) target_semaphore(%run_scoped3A : memref<!tpu.dma_semaphore, #tpu.memory_space<semaphore_mem>>)
        %dma_wait3A = arith.constant 0 : i32
        %dma_wait3A_98 = tpu.memref_slice %arg5[%mul3A_35, %dma_wait3A] : memref<10000x15xi32, #tpu.memory_space<hbm>> -> memref<1000x15xi32, #tpu.memory_space<hbm>>
        %dma_wait3A_99 = arith.constant 0 : i32
        %dma_wait3A_100 = tpu.memref_slice %arg5[%mul3A_35, %dma_wait3A_99] : memref<10000x15xi32, #tpu.memory_space<hbm>> -> memref<1000x15xi32, #tpu.memory_space<hbm>>
        tpu.wait_dma2 semaphore(%run_scoped3A : memref<!tpu.dma_semaphore, #tpu.memory_space<semaphore_mem>>) src(%dma_wait3A_100 : memref<1000x15xi32, #tpu.memory_space<hbm>>) dst(%arg12 : memref<1000x15xi32, #tpu.memory_space<vmem>>)
        tpu.yield
      }) : () -> ()
      "tpu.region"() ({
        %run_scoped3A = tpu.sem_alloc : memref<!tpu.dma_semaphore, #tpu.memory_space<semaphore_mem>>
        %dma_start3A = arith.constant 0 : i32
        %dma_start3A_95 = tpu.memref_slice %arg6[%mul3A_35, %dma_start3A] : memref<10000x15xf32, #tpu.memory_space<hbm>> -> memref<1000x15xf32, #tpu.memory_space<hbm>>
        %dma_start3A_96 = arith.constant 0 : i32
        %dma_start3A_97 = tpu.memref_slice %arg6[%mul3A_35, %dma_start3A_96] : memref<10000x15xf32, #tpu.memory_space<hbm>> -> memref<1000x15xf32, #tpu.memory_space<hbm>>
        tpu.enqueue_dma source(%dma_start3A_97 : memref<1000x15xf32, #tpu.memory_space<hbm>>) target(%arg13 : memref<1000x15xf32, #tpu.memory_space<vmem>>) target_semaphore(%run_scoped3A : memref<!tpu.dma_semaphore, #tpu.memory_space<semaphore_mem>>)
        %dma_wait3A = arith.constant 0 : i32
        %dma_wait3A_98 = tpu.memref_slice %arg6[%mul3A_35, %dma_wait3A] : memref<10000x15xf32, #tpu.memory_space<hbm>> -> memref<1000x15xf32, #tpu.memory_space<hbm>>
        %dma_wait3A_99 = arith.constant 0 : i32
        %dma_wait3A_100 = tpu.memref_slice %arg6[%mul3A_35, %dma_wait3A_99] : memref<10000x15xf32, #tpu.memory_space<hbm>> -> memref<1000x15xf32, #tpu.memory_space<hbm>>
        tpu.wait_dma2 semaphore(%run_scoped3A : memref<!tpu.dma_semaphore, #tpu.memory_space<semaphore_mem>>) src(%dma_wait3A_100 : memref<1000x15xf32, #tpu.memory_space<hbm>>) dst(%arg13 : memref<1000x15xf32, #tpu.memory_space<vmem>>)
        tpu.yield
      }) : () -> ()
      %broadcast_in_dim3A = arith.constant 0 : i32
      %broadcast_in_dim3A_38 = vector.broadcast %broadcast_in_dim3A : i32 to vector<16xi32>
      %broadcast_in_dim3A_39 = arith.constant 1 : i32
      %broadcast_in_dim3A_40 = vector.broadcast %broadcast_in_dim3A_39 : i32 to vector<16xi32>
      %broadcast_in_dim3A_41 = arith.constant 2 : i32
      %broadcast_in_dim3A_42 = vector.broadcast %broadcast_in_dim3A_41 : i32 to vector<16xi32>
      %broadcast_in_dim3A_43 = arith.constant 3 : i32
      %broadcast_in_dim3A_44 = vector.broadcast %broadcast_in_dim3A_43 : i32 to vector<16xi32>
      %broadcast_in_dim3A_45 = arith.constant 0 : i32
      %broadcast_in_dim3A_46 = vector.broadcast %broadcast_in_dim3A_45 : i32 to vector<16xi32>
      %broadcast_in_dim3A_47 = arith.constant 1 : i32
      %broadcast_in_dim3A_48 = vector.broadcast %broadcast_in_dim3A_47 : i32 to vector<16xi32>
      %broadcast_in_dim3A_49 = arith.constant 2 : i32
      %broadcast_in_dim3A_50 = vector.broadcast %broadcast_in_dim3A_49 : i32 to vector<16xi32>
      %broadcast_in_dim3A_51 = arith.constant 3 : i32
      %broadcast_in_dim3A_52 = vector.broadcast %broadcast_in_dim3A_51 : i32 to vector<16xi32>
      %broadcast_in_dim3A_53 = arith.constant 4 : i32
      %broadcast_in_dim3A_54 = vector.broadcast %broadcast_in_dim3A_53 : i32 to vector<16xi32>
      %broadcast_in_dim3A_55 = arith.constant 0 : i32
      %broadcast_in_dim3A_56 = vector.broadcast %broadcast_in_dim3A_55 : i32 to vector<16xi32>
      %broadcast_in_dim3A_57 = arith.constant 1 : i32
      %broadcast_in_dim3A_58 = vector.broadcast %broadcast_in_dim3A_57 : i32 to vector<16xi32>
      %broadcast_in_dim3A_59 = arith.constant 2 : i32
      %broadcast_in_dim3A_60 = vector.broadcast %broadcast_in_dim3A_59 : i32 to vector<16xi32>
      %broadcast_in_dim3A_61 = arith.constant 3 : i32
      %broadcast_in_dim3A_62 = vector.broadcast %broadcast_in_dim3A_61 : i32 to vector<16xi32>
      %broadcast_in_dim3A_63 = arith.constant 4 : i32
      %broadcast_in_dim3A_64 = vector.broadcast %broadcast_in_dim3A_63 : i32 to vector<16xi32>
      %broadcast_in_dim3A_65 = arith.constant 5 : i32
      %broadcast_in_dim3A_66 = vector.broadcast %broadcast_in_dim3A_65 : i32 to vector<16xi32>
      %broadcast_in_dim3A_67 = arith.constant 6 : i32
      %broadcast_in_dim3A_68 = vector.broadcast %broadcast_in_dim3A_67 : i32 to vector<16xi32>
      %broadcast_in_dim3A_69 = arith.constant 7 : i32
      %broadcast_in_dim3A_70 = vector.broadcast %broadcast_in_dim3A_69 : i32 to vector<16xi32>
      %broadcast_in_dim3A_71 = arith.constant 8 : i32
      %broadcast_in_dim3A_72 = vector.broadcast %broadcast_in_dim3A_71 : i32 to vector<16xi32>
      %broadcast_in_dim3A_73 = arith.constant 9 : i32
      %broadcast_in_dim3A_74 = vector.broadcast %broadcast_in_dim3A_73 : i32 to vector<16xi32>
      %broadcast_in_dim3A_75 = arith.constant 10 : i32
      %broadcast_in_dim3A_76 = vector.broadcast %broadcast_in_dim3A_75 : i32 to vector<16xi32>
      %broadcast_in_dim3A_77 = arith.constant 11 : i32
      %broadcast_in_dim3A_78 = vector.broadcast %broadcast_in_dim3A_77 : i32 to vector<16xi32>
      %broadcast_in_dim3A_79 = arith.constant 12 : i32
      %broadcast_in_dim3A_80 = vector.broadcast %broadcast_in_dim3A_79 : i32 to vector<16xi32>
      %broadcast_in_dim3A_81 = arith.constant 13 : i32
      %broadcast_in_dim3A_82 = vector.broadcast %broadcast_in_dim3A_81 : i32 to vector<16xi32>
      %broadcast_in_dim3A_83 = arith.constant 14 : i32
      %broadcast_in_dim3A_84 = vector.broadcast %broadcast_in_dim3A_83 : i32 to vector<16xi32>
      %iota3A = tpu.iota {dimensions = array<i32: 0>} : vector<16xi32>
      %scan3A = arith.constant 0 : i32
      %scan3A_85 = arith.constant 0 : i32
      %scan3A_86 = arith.constant 63 : i32
      %scan3A_87 = arith.addi %scan3A_85, %scan3A_86 : i32
      %scan3A_88 = arith.constant 1 : i32
      %scan3A_89 = scf.for %scan3A_95 = %scan3A_85 to %scan3A_87 step %scan3A_88 iter_args(%scan3A_96 = %scan3A) -> (i32)  : i32 {
        %mul3A_97 = arith.constant 16 : i32
        %mul3A_98 = arith.muli %scan3A_95, %mul3A_97 : i32
        %min3A = arith.constant 984 : i32
        %min3A_99 = arith.minsi %mul3A_98, %min3A : i32
        %add3A_100 = vector.broadcast %min3A_99 : i32 to vector<16xi32>
        %add3A_101 = arith.addi %iota3A, %add3A_100 : vector<16xi32>
        %gather3A = tpu.vector_load_idx %arg10[%add3A_101, %broadcast_in_dim3A_46] : memref<1000x5xi32, #tpu.memory_space<vmem>>[vector<16xi32>, vector<16xi32>], vector<16xi32>,
        %gather3A_102 = tpu.vector_load_idx %arg10[%add3A_101, %broadcast_in_dim3A_48] : memref<1000x5xi32, #tpu.memory_space<vmem>>[vector<16xi32>, vector<16xi32>], vector<16xi32>,
        %gather3A_103 = tpu.vector_load_idx %arg10[%add3A_101, %broadcast_in_dim3A_50] : memref<1000x5xi32, #tpu.memory_space<vmem>>[vector<16xi32>, vector<16xi32>], vector<16xi32>,
        %gather3A_104 = tpu.vector_load_idx %arg10[%add3A_101, %broadcast_in_dim3A_52] : memref<1000x5xi32, #tpu.memory_space<vmem>>[vector<16xi32>, vector<16xi32>], vector<16xi32>,
        %gather3A_105 = tpu.vector_load_idx %arg10[%add3A_101, %broadcast_in_dim3A_54] : memref<1000x5xi32, #tpu.memory_space<vmem>>[vector<16xi32>, vector<16xi32>], vector<16xi32>,
        %gather3A_106 = tpu.vector_load_idx %arg11[%add3A_101, %broadcast_in_dim3A_46] : memref<1000x5xf32, #tpu.memory_space<vmem>>[vector<16xi32>, vector<16xi32>], vector<16xf32>,
        %gather3A_107 = tpu.vector_load_idx %arg11[%add3A_101, %broadcast_in_dim3A_48] : memref<1000x5xf32, #tpu.memory_space<vmem>>[vector<16xi32>, vector<16xi32>], vector<16xf32>,
        %gather3A_108 = tpu.vector_load_idx %arg11[%add3A_101, %broadcast_in_dim3A_50] : memref<1000x5xf32, #tpu.memory_space<vmem>>[vector<16xi32>, vector<16xi32>], vector<16xf32>,
        %gather3A_109 = tpu.vector_load_idx %arg11[%add3A_101, %broadcast_in_dim3A_52] : memref<1000x5xf32, #tpu.memory_space<vmem>>[vector<16xi32>, vector<16xi32>], vector<16xf32>,
        %gather3A_110 = tpu.vector_load_idx %arg11[%add3A_101, %broadcast_in_dim3A_54] : memref<1000x5xf32, #tpu.memory_space<vmem>>[vector<16xi32>, vector<16xi32>], vector<16xf32>,
        %broadcast_in_dim3A_111 = arith.constant 0.000000e+00 : f32
        %broadcast_in_dim3A_112 = vector.broadcast %broadcast_in_dim3A_111 : f32 to vector<16xf32>
        %gather3A_113 = tpu.vector_load_idx %arg9[%broadcast_in_dim3A_38, %gather3A] : memref<4x10000xf32, #tpu.memory_space<vmem>>[vector<16xi32>, vector<16xi32>], vector<16xf32>,
        %mul3A_114 = arith.mulf %gather3A_106, %gather3A_113 : vector<16xf32>
        %add3A_115 = arith.addf %broadcast_in_dim3A_112, %mul3A_114 : vector<16xf32>
        %gather3A_116 = tpu.vector_load_idx %arg9[%broadcast_in_dim3A_38, %gather3A_102] : memref<4x10000xf32, #tpu.memory_space<vmem>>[vector<16xi32>, vector<16xi32>], vector<16xf32>,
        %mul3A_117 = arith.mulf %gather3A_107, %gather3A_116 : vector<16xf32>
        %add3A_118 = arith.addf %add3A_115, %mul3A_117 : vector<16xf32>
        %gather3A_119 = tpu.vector_load_idx %arg9[%broadcast_in_dim3A_38, %gather3A_103] : memref<4x10000xf32, #tpu.memory_space<vmem>>[vector<16xi32>, vector<16xi32>], vector<16xf32>,
        %mul3A_120 = arith.mulf %gather3A_108, %gather3A_119 : vector<16xf32>
        %add3A_121 = arith.addf %add3A_118, %mul3A_120 : vector<16xf32>
        %gather3A_122 = tpu.vector_load_idx %arg9[%broadcast_in_dim3A_38, %gather3A_104] : memref<4x10000xf32, #tpu.memory_space<vmem>>[vector<16xi32>, vector<16xi32>], vector<16xf32>,
        %mul3A_123 = arith.mulf %gather3A_109, %gather3A_122 : vector<16xf32>
        %add3A_124 = arith.addf %add3A_121, %mul3A_123 : vector<16xf32>
        %gather3A_125 = tpu.vector_load_idx %arg9[%broadcast_in_dim3A_38, %gather3A_105] : memref<4x10000xf32, #tpu.memory_space<vmem>>[vector<16xi32>, vector<16xi32>], vector<16xf32>,
        %mul3A_126 = arith.mulf %gather3A_110, %gather3A_125 : vector<16xf32>
        %add3A_127 = arith.addf %add3A_124, %mul3A_126 : vector<16xf32>
        %swap3A = arith.constant 0 : i32
        %swap3A_128 = arith.index_cast %swap3A : i32 to index
        %swap3A_129 = arith.index_cast %min3A_99 : i32 to index
        %swap3A_130 = tpu.vector_load %arg14[%swap3A_128, %swap3A_129] {strides = array<i32>} : memref<4x1000xf32, #tpu.memory_space<vmem>>, vector<16xf32>,
        tpu.vector_store %arg14[%swap3A_128, %swap3A_129], %add3A_127 {strides = array<i32>} : memref<4x1000xf32, #tpu.memory_space<vmem>>, vector<16xf32>,
        %broadcast_in_dim3A_131 = arith.constant 0.000000e+00 : f32
        %broadcast_in_dim3A_132 = vector.broadcast %broadcast_in_dim3A_131 : f32 to vector<16xf32>
        %gather3A_133 = tpu.vector_load_idx %arg9[%broadcast_in_dim3A_40, %gather3A] : memref<4x10000xf32, #tpu.memory_space<vmem>>[vector<16xi32>, vector<16xi32>], vector<16xf32>,
        %mul3A_134 = arith.mulf %gather3A_106, %gather3A_133 : vector<16xf32>
        %add3A_135 = arith.addf %broadcast_in_dim3A_132, %mul3A_134 : vector<16xf32>
        %gather3A_136 = tpu.vector_load_idx %arg9[%broadcast_in_dim3A_40, %gather3A_102] : memref<4x10000xf32, #tpu.memory_space<vmem>>[vector<16xi32>, vector<16xi32>], vector<16xf32>,
        %mul3A_137 = arith.mulf %gather3A_107, %gather3A_136 : vector<16xf32>
        %add3A_138 = arith.addf %add3A_135, %mul3A_137 : vector<16xf32>
        %gather3A_139 = tpu.vector_load_idx %arg9[%broadcast_in_dim3A_40, %gather3A_103] : memref<4x10000xf32, #tpu.memory_space<vmem>>[vector<16xi32>, vector<16xi32>], vector<16xf32>,
        %mul3A_140 = arith.mulf %gather3A_108, %gather3A_139 : vector<16xf32>
        %add3A_141 = arith.addf %add3A_138, %mul3A_140 : vector<16xf32>
        %gather3A_142 = tpu.vector_load_idx %arg9[%broadcast_in_dim3A_40, %gather3A_104] : memref<4x10000xf32, #tpu.memory_space<vmem>>[vector<16xi32>, vector<16xi32>], vector<16xf32>,
        %mul3A_143 = arith.mulf %gather3A_109, %gather3A_142 : vector<16xf32>
        %add3A_144 = arith.addf %add3A_141, %mul3A_143 : vector<16xf32>
        %gather3A_145 = tpu.vector_load_idx %arg9[%broadcast_in_dim3A_40, %gather3A_105] : memref<4x10000xf32, #tpu.memory_space<vmem>>[vector<16xi32>, vector<16xi32>], vector<16xf32>,
        %mul3A_146 = arith.mulf %gather3A_110, %gather3A_145 : vector<16xf32>
        %add3A_147 = arith.addf %add3A_144, %mul3A_146 : vector<16xf32>
        %swap3A_148 = arith.constant 1 : i32
        %swap3A_149 = arith.index_cast %swap3A_148 : i32 to index
        %swap3A_150 = arith.index_cast %min3A_99 : i32 to index
        %swap3A_151 = tpu.vector_load %arg14[%swap3A_149, %swap3A_150] {strides = array<i32>} : memref<4x1000xf32, #tpu.memory_space<vmem>>, vector<16xf32>,
        tpu.vector_store %arg14[%swap3A_149, %swap3A_150], %add3A_147 {strides = array<i32>} : memref<4x1000xf32, #tpu.memory_space<vmem>>, vector<16xf32>,
        %broadcast_in_dim3A_152 = arith.constant 0.000000e+00 : f32
        %broadcast_in_dim3A_153 = vector.broadcast %broadcast_in_dim3A_152 : f32 to vector<16xf32>
        %gather3A_154 = tpu.vector_load_idx %arg9[%broadcast_in_dim3A_42, %gather3A] : memref<4x10000xf32, #tpu.memory_space<vmem>>[vector<16xi32>, vector<16xi32>], vector<16xf32>,
        %mul3A_155 = arith.mulf %gather3A_106, %gather3A_154 : vector<16xf32>
        %add3A_156 = arith.addf %broadcast_in_dim3A_153, %mul3A_155 : vector<16xf32>
        %gather3A_157 = tpu.vector_load_idx %arg9[%broadcast_in_dim3A_42, %gather3A_102] : memref<4x10000xf32, #tpu.memory_space<vmem>>[vector<16xi32>, vector<16xi32>], vector<16xf32>,
        %mul3A_158 = arith.mulf %gather3A_107, %gather3A_157 : vector<16xf32>
        %add3A_159 = arith.addf %add3A_156, %mul3A_158 : vector<16xf32>
        %gather3A_160 = tpu.vector_load_idx %arg9[%broadcast_in_dim3A_42, %gather3A_103] : memref<4x10000xf32, #tpu.memory_space<vmem>>[vector<16xi32>, vector<16xi32>], vector<16xf32>,
        %mul3A_161 = arith.mulf %gather3A_108, %gather3A_160 : vector<16xf32>
        %add3A_162 = arith.addf %add3A_159, %mul3A_161 : vector<16xf32>
        %gather3A_163 = tpu.vector_load_idx %arg9[%broadcast_in_dim3A_42, %gather3A_104] : memref<4x10000xf32, #tpu.memory_space<vmem>>[vector<16xi32>, vector<16xi32>], vector<16xf32>,
        %mul3A_164 = arith.mulf %gather3A_109, %gather3A_163 : vector<16xf32>
        %add3A_165 = arith.addf %add3A_162, %mul3A_164 : vector<16xf32>
        %gather3A_166 = tpu.vector_load_idx %arg9[%broadcast_in_dim3A_42, %gather3A_105] : memref<4x10000xf32, #tpu.memory_space<vmem>>[vector<16xi32>, vector<16xi32>], vector<16xf32>,
        %mul3A_167 = arith.mulf %gather3A_110, %gather3A_166 : vector<16xf32>
        %add3A_168 = arith.addf %add3A_165, %mul3A_167 : vector<16xf32>
        %swap3A_169 = arith.constant 2 : i32
        %swap3A_170 = arith.index_cast %swap3A_169 : i32 to index
        %swap3A_171 = arith.index_cast %min3A_99 : i32 to index
        %swap3A_172 = tpu.vector_load %arg14[%swap3A_170, %swap3A_171] {strides = array<i32>} : memref<4x1000xf32, #tpu.memory_space<vmem>>, vector<16xf32>,
        tpu.vector_store %arg14[%swap3A_170, %swap3A_171], %add3A_168 {strides = array<i32>} : memref<4x1000xf32, #tpu.memory_space<vmem>>, vector<16xf32>,
        %broadcast_in_dim3A_173 = arith.constant 0.000000e+00 : f32
        %broadcast_in_dim3A_174 = vector.broadcast %broadcast_in_dim3A_173 : f32 to vector<16xf32>
        %gather3A_175 = tpu.vector_load_idx %arg9[%broadcast_in_dim3A_44, %gather3A] : memref<4x10000xf32, #tpu.memory_space<vmem>>[vector<16xi32>, vector<16xi32>], vector<16xf32>,
        %mul3A_176 = arith.mulf %gather3A_106, %gather3A_175 : vector<16xf32>
        %add3A_177 = arith.addf %broadcast_in_dim3A_174, %mul3A_176 : vector<16xf32>
        %gather3A_178 = tpu.vector_load_idx %arg9[%broadcast_in_dim3A_44, %gather3A_102] : memref<4x10000xf32, #tpu.memory_space<vmem>>[vector<16xi32>, vector<16xi32>], vector<16xf32>,
        %mul3A_179 = arith.mulf %gather3A_107, %gather3A_178 : vector<16xf32>
        %add3A_180 = arith.addf %add3A_177, %mul3A_179 : vector<16xf32>
        %gather3A_181 = tpu.vector_load_idx %arg9[%broadcast_in_dim3A_44, %gather3A_103] : memref<4x10000xf32, #tpu.memory_space<vmem>>[vector<16xi32>, vector<16xi32>], vector<16xf32>,
        %mul3A_182 = arith.mulf %gather3A_108, %gather3A_181 : vector<16xf32>
        %add3A_183 = arith.addf %add3A_180, %mul3A_182 : vector<16xf32>
        %gather3A_184 = tpu.vector_load_idx %arg9[%broadcast_in_dim3A_44, %gather3A_104] : memref<4x10000xf32, #tpu.memory_space<vmem>>[vector<16xi32>, vector<16xi32>], vector<16xf32>,
        %mul3A_185 = arith.mulf %gather3A_109, %gather3A_184 : vector<16xf32>
        %add3A_186 = arith.addf %add3A_183, %mul3A_185 : vector<16xf32>
        %gather3A_187 = tpu.vector_load_idx %arg9[%broadcast_in_dim3A_44, %gather3A_105] : memref<4x10000xf32, #tpu.memory_space<vmem>>[vector<16xi32>, vector<16xi32>], vector<16xf32>,
        %mul3A_188 = arith.mulf %gather3A_110, %gather3A_187 : vector<16xf32>
        %add3A_189 = arith.addf %add3A_186, %mul3A_188 : vector<16xf32>
        %swap3A_190 = arith.constant 3 : i32
        %swap3A_191 = arith.index_cast %swap3A_190 : i32 to index
        %swap3A_192 = arith.index_cast %min3A_99 : i32 to index
        %swap3A_193 = tpu.vector_load %arg14[%swap3A_191, %swap3A_192] {strides = array<i32>} : memref<4x1000xf32, #tpu.memory_space<vmem>>, vector<16xf32>,
        tpu.vector_store %arg14[%swap3A_191, %swap3A_192], %add3A_189 {strides = array<i32>} : memref<4x1000xf32, #tpu.memory_space<vmem>>, vector<16xf32>,
        %gather3A_194 = tpu.vector_load_idx %arg12[%add3A_101, %broadcast_in_dim3A_56] : memref<1000x15xi32, #tpu.memory_space<vmem>>[vector<16xi32>, vector<16xi32>], vector<16xi32>,
        %gather3A_195 = tpu.vector_load_idx %arg12[%add3A_101, %broadcast_in_dim3A_58] : memref<1000x15xi32, #tpu.memory_space<vmem>>[vector<16xi32>, vector<16xi32>], vector<16xi32>,
        %gather3A_196 = tpu.vector_load_idx %arg12[%add3A_101, %broadcast_in_dim3A_60] : memref<1000x15xi32, #tpu.memory_space<vmem>>[vector<16xi32>, vector<16xi32>], vector<16xi32>,
        %gather3A_197 = tpu.vector_load_idx %arg12[%add3A_101, %broadcast_in_dim3A_62] : memref<1000x15xi32, #tpu.memory_space<vmem>>[vector<16xi32>, vector<16xi32>], vector<16xi32>,
        %gather3A_198 = tpu.vector_load_idx %arg12[%add3A_101, %broadcast_in_dim3A_64] : memref<1000x15xi32, #tpu.memory_space<vmem>>[vector<16xi32>, vector<16xi32>], vector<16xi32>,
        %gather3A_199 = tpu.vector_load_idx %arg12[%add3A_101, %broadcast_in_dim3A_66] : memref<1000x15xi32, #tpu.memory_space<vmem>>[vector<16xi32>, vector<16xi32>], vector<16xi32>,
        %gather3A_200 = tpu.vector_load_idx %arg12[%add3A_101, %broadcast_in_dim3A_68] : memref<1000x15xi32, #tpu.memory_space<vmem>>[vector<16xi32>, vector<16xi32>], vector<16xi32>,
        %gather3A_201 = tpu.vector_load_idx %arg12[%add3A_101, %broadcast_in_dim3A_70] : memref<1000x15xi32, #tpu.memory_space<vmem>>[vector<16xi32>, vector<16xi32>], vector<16xi32>,
        %gather3A_202 = tpu.vector_load_idx %arg12[%add3A_101, %broadcast_in_dim3A_72] : memref<1000x15xi32, #tpu.memory_space<vmem>>[vector<16xi32>, vector<16xi32>], vector<16xi32>,
        %gather3A_203 = tpu.vector_load_idx %arg12[%add3A_101, %broadcast_in_dim3A_74] : memref<1000x15xi32, #tpu.memory_space<vmem>>[vector<16xi32>, vector<16xi32>], vector<16xi32>,
        %gather3A_204 = tpu.vector_load_idx %arg12[%add3A_101, %broadcast_in_dim3A_76] : memref<1000x15xi32, #tpu.memory_space<vmem>>[vector<16xi32>, vector<16xi32>], vector<16xi32>,
        %gather3A_205 = tpu.vector_load_idx %arg12[%add3A_101, %broadcast_in_dim3A_78] : memref<1000x15xi32, #tpu.memory_space<vmem>>[vector<16xi32>, vector<16xi32>], vector<16xi32>,
        %gather3A_206 = tpu.vector_load_idx %arg12[%add3A_101, %broadcast_in_dim3A_80] : memref<1000x15xi32, #tpu.memory_space<vmem>>[vector<16xi32>, vector<16xi32>], vector<16xi32>,
        %gather3A_207 = tpu.vector_load_idx %arg12[%add3A_101, %broadcast_in_dim3A_82] : memref<1000x15xi32, #tpu.memory_space<vmem>>[vector<16xi32>, vector<16xi32>], vector<16xi32>,
        %gather3A_208 = tpu.vector_load_idx %arg12[%add3A_101, %broadcast_in_dim3A_84] : memref<1000x15xi32, #tpu.memory_space<vmem>>[vector<16xi32>, vector<16xi32>], vector<16xi32>,
        %gather3A_209 = tpu.vector_load_idx %arg13[%add3A_101, %broadcast_in_dim3A_56] : memref<1000x15xf32, #tpu.memory_space<vmem>>[vector<16xi32>, vector<16xi32>], vector<16xf32>,
        %gather3A_210 = tpu.vector_load_idx %arg13[%add3A_101, %broadcast_in_dim3A_58] : memref<1000x15xf32, #tpu.memory_space<vmem>>[vector<16xi32>, vector<16xi32>], vector<16xf32>,
        %gather3A_211 = tpu.vector_load_idx %arg13[%add3A_101, %broadcast_in_dim3A_60] : memref<1000x15xf32, #tpu.memory_space<vmem>>[vector<16xi32>, vector<16xi32>], vector<16xf32>,
        %gather3A_212 = tpu.vector_load_idx %arg13[%add3A_101, %broadcast_in_dim3A_62] : memref<1000x15xf32, #tpu.memory_space<vmem>>[vector<16xi32>, vector<16xi32>], vector<16xf32>,
        %gather3A_213 = tpu.vector_load_idx %arg13[%add3A_101, %broadcast_in_dim3A_64] : memref<1000x15xf32, #tpu.memory_space<vmem>>[vector<16xi32>, vector<16xi32>], vector<16xf32>,
        %gather3A_214 = tpu.vector_load_idx %arg13[%add3A_101, %broadcast_in_dim3A_66] : memref<1000x15xf32, #tpu.memory_space<vmem>>[vector<16xi32>, vector<16xi32>], vector<16xf32>,
        %gather3A_215 = tpu.vector_load_idx %arg13[%add3A_101, %broadcast_in_dim3A_68] : memref<1000x15xf32, #tpu.memory_space<vmem>>[vector<16xi32>, vector<16xi32>], vector<16xf32>,
        %gather3A_216 = tpu.vector_load_idx %arg13[%add3A_101, %broadcast_in_dim3A_70] : memref<1000x15xf32, #tpu.memory_space<vmem>>[vector<16xi32>, vector<16xi32>], vector<16xf32>,
        %gather3A_217 = tpu.vector_load_idx %arg13[%add3A_101, %broadcast_in_dim3A_72] : memref<1000x15xf32, #tpu.memory_space<vmem>>[vector<16xi32>, vector<16xi32>], vector<16xf32>,
        %gather3A_218 = tpu.vector_load_idx %arg13[%add3A_101, %broadcast_in_dim3A_74] : memref<1000x15xf32, #tpu.memory_space<vmem>>[vector<16xi32>, vector<16xi32>], vector<16xf32>,
        %gather3A_219 = tpu.vector_load_idx %arg13[%add3A_101, %broadcast_in_dim3A_76] : memref<1000x15xf32, #tpu.memory_space<vmem>>[vector<16xi32>, vector<16xi32>], vector<16xf32>,
        %gather3A_220 = tpu.vector_load_idx %arg13[%add3A_101, %broadcast_in_dim3A_78] : memref<1000x15xf32, #tpu.memory_space<vmem>>[vector<16xi32>, vector<16xi32>], vector<16xf32>,
        %gather3A_221 = tpu.vector_load_idx %arg13[%add3A_101, %broadcast_in_dim3A_80] : memref<1000x15xf32, #tpu.memory_space<vmem>>[vector<16xi32>, vector<16xi32>], vector<16xf32>,
        %gather3A_222 = tpu.vector_load_idx %arg13[%add3A_101, %broadcast_in_dim3A_82] : memref<1000x15xf32, #tpu.memory_space<vmem>>[vector<16xi32>, vector<16xi32>], vector<16xf32>,
        %gather3A_223 = tpu.vector_load_idx %arg13[%add3A_101, %broadcast_in_dim3A_84] : memref<1000x15xf32, #tpu.memory_space<vmem>>[vector<16xi32>, vector<16xi32>], vector<16xf32>,
        %broadcast_in_dim3A_224 = arith.constant 0.000000e+00 : f32
        %broadcast_in_dim3A_225 = vector.broadcast %broadcast_in_dim3A_224 : f32 to vector<16xf32>
        %gather3A_226 = tpu.vector_load_idx %arg9[%broadcast_in_dim3A_38, %gather3A_194] : memref<4x10000xf32, #tpu.memory_space<vmem>>[vector<16xi32>, vector<16xi32>], vector<16xf32>,
        %mul3A_227 = arith.mulf %gather3A_209, %gather3A_226 : vector<16xf32>
        %add3A_228 = arith.addf %broadcast_in_dim3A_225, %mul3A_227 : vector<16xf32>
        %gather3A_229 = tpu.vector_load_idx %arg9[%broadcast_in_dim3A_38, %gather3A_195] : memref<4x10000xf32, #tpu.memory_space<vmem>>[vector<16xi32>, vector<16xi32>], vector<16xf32>,
        %mul3A_230 = arith.mulf %gather3A_210, %gather3A_229 : vector<16xf32>
        %add3A_231 = arith.addf %add3A_228, %mul3A_230 : vector<16xf32>
        %gather3A_232 = tpu.vector_load_idx %arg9[%broadcast_in_dim3A_38, %gather3A_196] : memref<4x10000xf32, #tpu.memory_space<vmem>>[vector<16xi32>, vector<16xi32>], vector<16xf32>,
        %mul3A_233 = arith.mulf %gather3A_211, %gather3A_232 : vector<16xf32>
        %add3A_234 = arith.addf %add3A_231, %mul3A_233 : vector<16xf32>
        %gather3A_235 = tpu.vector_load_idx %arg9[%broadcast_in_dim3A_38, %gather3A_197] : memref<4x10000xf32, #tpu.memory_space<vmem>>[vector<16xi32>, vector<16xi32>], vector<16xf32>,
        %mul3A_236 = arith.mulf %gather3A_212, %gather3A_235 : vector<16xf32>
        %add3A_237 = arith.addf %add3A_234, %mul3A_236 : vector<16xf32>
        %gather3A_238 = tpu.vector_load_idx %arg9[%broadcast_in_dim3A_38, %gather3A_198] : memref<4x10000xf32, #tpu.memory_space<vmem>>[vector<16xi32>, vector<16xi32>], vector<16xf32>,
        %mul3A_239 = arith.mulf %gather3A_213, %gather3A_238 : vector<16xf32>
        %add3A_240 = arith.addf %add3A_237, %mul3A_239 : vector<16xf32>
        %gather3A_241 = tpu.vector_load_idx %arg9[%broadcast_in_dim3A_38, %gather3A_199] : memref<4x10000xf32, #tpu.memory_space<vmem>>[vector<16xi32>, vector<16xi32>], vector<16xf32>,
        %mul3A_242 = arith.mulf %gather3A_214, %gather3A_241 : vector<16xf32>
        %add3A_243 = arith.addf %add3A_240, %mul3A_242 : vector<16xf32>
        %gather3A_244 = tpu.vector_load_idx %arg9[%broadcast_in_dim3A_38, %gather3A_200] : memref<4x10000xf32, #tpu.memory_space<vmem>>[vector<16xi32>, vector<16xi32>], vector<16xf32>,
        %mul3A_245 = arith.mulf %gather3A_215, %gather3A_244 : vector<16xf32>
        %add3A_246 = arith.addf %add3A_243, %mul3A_245 : vector<16xf32>
        %gather3A_247 = tpu.vector_load_idx %arg9[%broadcast_in_dim3A_38, %gather3A_201] : memref<4x10000xf32, #tpu.memory_space<vmem>>[vector<16xi32>, vector<16xi32>], vector<16xf32>,
        %mul3A_248 = arith.mulf %gather3A_216, %gather3A_247 : vector<16xf32>
        %add3A_249 = arith.addf %add3A_246, %mul3A_248 : vector<16xf32>
        %gather3A_250 = tpu.vector_load_idx %arg9[%broadcast_in_dim3A_38, %gather3A_202] : memref<4x10000xf32, #tpu.memory_space<vmem>>[vector<16xi32>, vector<16xi32>], vector<16xf32>,
        %mul3A_251 = arith.mulf %gather3A_217, %gather3A_250 : vector<16xf32>
        %add3A_252 = arith.addf %add3A_249, %mul3A_251 : vector<16xf32>
        %gather3A_253 = tpu.vector_load_idx %arg9[%broadcast_in_dim3A_38, %gather3A_203] : memref<4x10000xf32, #tpu.memory_space<vmem>>[vector<16xi32>, vector<16xi32>], vector<16xf32>,
        %mul3A_254 = arith.mulf %gather3A_218, %gather3A_253 : vector<16xf32>
        %add3A_255 = arith.addf %add3A_252, %mul3A_254 : vector<16xf32>
        %gather3A_256 = tpu.vector_load_idx %arg9[%broadcast_in_dim3A_38, %gather3A_204] : memref<4x10000xf32, #tpu.memory_space<vmem>>[vector<16xi32>, vector<16xi32>], vector<16xf32>,
        %mul3A_257 = arith.mulf %gather3A_219, %gather3A_256 : vector<16xf32>
        %add3A_258 = arith.addf %add3A_255, %mul3A_257 : vector<16xf32>
        %gather3A_259 = tpu.vector_load_idx %arg9[%broadcast_in_dim3A_38, %gather3A_205] : memref<4x10000xf32, #tpu.memory_space<vmem>>[vector<16xi32>, vector<16xi32>], vector<16xf32>,
        %mul3A_260 = arith.mulf %gather3A_220, %gather3A_259 : vector<16xf32>
        %add3A_261 = arith.addf %add3A_258, %mul3A_260 : vector<16xf32>
        %gather3A_262 = tpu.vector_load_idx %arg9[%broadcast_in_dim3A_38, %gather3A_206] : memref<4x10000xf32, #tpu.memory_space<vmem>>[vector<16xi32>, vector<16xi32>], vector<16xf32>,
        %mul3A_263 = arith.mulf %gather3A_221, %gather3A_262 : vector<16xf32>
        %add3A_264 = arith.addf %add3A_261, %mul3A_263 : vector<16xf32>
        %gather3A_265 = tpu.vector_load_idx %arg9[%broadcast_in_dim3A_38, %gather3A_207] : memref<4x10000xf32, #tpu.memory_space<vmem>>[vector<16xi32>, vector<16xi32>], vector<16xf32>,
        %mul3A_266 = arith.mulf %gather3A_222, %gather3A_265 : vector<16xf32>
        %add3A_267 = arith.addf %add3A_264, %mul3A_266 : vector<16xf32>
        %gather3A_268 = tpu.vector_load_idx %arg9[%broadcast_in_dim3A_38, %gather3A_208] : memref<4x10000xf32, #tpu.memory_space<vmem>>[vector<16xi32>, vector<16xi32>], vector<16xf32>,
        %mul3A_269 = arith.mulf %gather3A_223, %gather3A_268 : vector<16xf32>
        %add3A_270 = arith.addf %add3A_267, %mul3A_269 : vector<16xf32>
        %swap3A_271 = arith.constant 0 : i32
        %swap3A_272 = arith.index_cast %swap3A_271 : i32 to index
        %swap3A_273 = arith.index_cast %min3A_99 : i32 to index
        %swap3A_274 = tpu.vector_load %arg15[%swap3A_272, %swap3A_273] {strides = array<i32>} : memref<4x1000xf32, #tpu.memory_space<vmem>>, vector<16xf32>,
        tpu.vector_store %arg15[%swap3A_272, %swap3A_273], %add3A_270 {strides = array<i32>} : memref<4x1000xf32, #tpu.memory_space<vmem>>, vector<16xf32>,
        %broadcast_in_dim3A_275 = arith.constant 0.000000e+00 : f32
        %broadcast_in_dim3A_276 = vector.broadcast %broadcast_in_dim3A_275 : f32 to vector<16xf32>
        %gather3A_277 = tpu.vector_load_idx %arg9[%broadcast_in_dim3A_40, %gather3A_194] : memref<4x10000xf32, #tpu.memory_space<vmem>>[vector<16xi32>, vector<16xi32>], vector<16xf32>,
        %mul3A_278 = arith.mulf %gather3A_209, %gather3A_277 : vector<16xf32>
        %add3A_279 = arith.addf %broadcast_in_dim3A_276, %mul3A_278 : vector<16xf32>
        %gather3A_280 = tpu.vector_load_idx %arg9[%broadcast_in_dim3A_40, %gather3A_195] : memref<4x10000xf32, #tpu.memory_space<vmem>>[vector<16xi32>, vector<16xi32>], vector<16xf32>,
        %mul3A_281 = arith.mulf %gather3A_210, %gather3A_280 : vector<16xf32>
        %add3A_282 = arith.addf %add3A_279, %mul3A_281 : vector<16xf32>
        %gather3A_283 = tpu.vector_load_idx %arg9[%broadcast_in_dim3A_40, %gather3A_196] : memref<4x10000xf32, #tpu.memory_space<vmem>>[vector<16xi32>, vector<16xi32>], vector<16xf32>,
        %mul3A_284 = arith.mulf %gather3A_211, %gather3A_283 : vector<16xf32>
        %add3A_285 = arith.addf %add3A_282, %mul3A_284 : vector<16xf32>
        %gather3A_286 = tpu.vector_load_idx %arg9[%broadcast_in_dim3A_40, %gather3A_197] : memref<4x10000xf32, #tpu.memory_space<vmem>>[vector<16xi32>, vector<16xi32>], vector<16xf32>,
        %mul3A_287 = arith.mulf %gather3A_212, %gather3A_286 : vector<16xf32>
        %add3A_288 = arith.addf %add3A_285, %mul3A_287 : vector<16xf32>
        %gather3A_289 = tpu.vector_load_idx %arg9[%broadcast_in_dim3A_40, %gather3A_198] : memref<4x10000xf32, #tpu.memory_space<vmem>>[vector<16xi32>, vector<16xi32>], vector<16xf32>,
        %mul3A_290 = arith.mulf %gather3A_213, %gather3A_289 : vector<16xf32>
        %add3A_291 = arith.addf %add3A_288, %mul3A_290 : vector<16xf32>
        %gather3A_292 = tpu.vector_load_idx %arg9[%broadcast_in_dim3A_40, %gather3A_199] : memref<4x10000xf32, #tpu.memory_space<vmem>>[vector<16xi32>, vector<16xi32>], vector<16xf32>,
        %mul3A_293 = arith.mulf %gather3A_214, %gather3A_292 : vector<16xf32>
        %add3A_294 = arith.addf %add3A_291, %mul3A_293 : vector<16xf32>
        %gather3A_295 = tpu.vector_load_idx %arg9[%broadcast_in_dim3A_40, %gather3A_200] : memref<4x10000xf32, #tpu.memory_space<vmem>>[vector<16xi32>, vector<16xi32>], vector<16xf32>,
        %mul3A_296 = arith.mulf %gather3A_215, %gather3A_295 : vector<16xf32>
        %add3A_297 = arith.addf %add3A_294, %mul3A_296 : vector<16xf32>
        %gather3A_298 = tpu.vector_load_idx %arg9[%broadcast_in_dim3A_40, %gather3A_201] : memref<4x10000xf32, #tpu.memory_space<vmem>>[vector<16xi32>, vector<16xi32>], vector<16xf32>,
        %mul3A_299 = arith.mulf %gather3A_216, %gather3A_298 : vector<16xf32>
        %add3A_300 = arith.addf %add3A_297, %mul3A_299 : vector<16xf32>
        %gather3A_301 = tpu.vector_load_idx %arg9[%broadcast_in_dim3A_40, %gather3A_202] : memref<4x10000xf32, #tpu.memory_space<vmem>>[vector<16xi32>, vector<16xi32>], vector<16xf32>,
        %mul3A_302 = arith.mulf %gather3A_217, %gather3A_301 : vector<16xf32>
        %add3A_303 = arith.addf %add3A_300, %mul3A_302 : vector<16xf32>
        %gather3A_304 = tpu.vector_load_idx %arg9[%broadcast_in_dim3A_40, %gather3A_203] : memref<4x10000xf32, #tpu.memory_space<vmem>>[vector<16xi32>, vector<16xi32>], vector<16xf32>,
        %mul3A_305 = arith.mulf %gather3A_218, %gather3A_304 : vector<16xf32>
        %add3A_306 = arith.addf %add3A_303, %mul3A_305 : vector<16xf32>
        %gather3A_307 = tpu.vector_load_idx %arg9[%broadcast_in_dim3A_40, %gather3A_204] : memref<4x10000xf32, #tpu.memory_space<vmem>>[vector<16xi32>, vector<16xi32>], vector<16xf32>,
        %mul3A_308 = arith.mulf %gather3A_219, %gather3A_307 : vector<16xf32>
        %add3A_309 = arith.addf %add3A_306, %mul3A_308 : vector<16xf32>
        %gather3A_310 = tpu.vector_load_idx %arg9[%broadcast_in_dim3A_40, %gather3A_205] : memref<4x10000xf32, #tpu.memory_space<vmem>>[vector<16xi32>, vector<16xi32>], vector<16xf32>,
        %mul3A_311 = arith.mulf %gather3A_220, %gather3A_310 : vector<16xf32>
        %add3A_312 = arith.addf %add3A_309, %mul3A_311 : vector<16xf32>
        %gather3A_313 = tpu.vector_load_idx %arg9[%broadcast_in_dim3A_40, %gather3A_206] : memref<4x10000xf32, #tpu.memory_space<vmem>>[vector<16xi32>, vector<16xi32>], vector<16xf32>,
        %mul3A_314 = arith.mulf %gather3A_221, %gather3A_313 : vector<16xf32>
        %add3A_315 = arith.addf %add3A_312, %mul3A_314 : vector<16xf32>
        %gather3A_316 = tpu.vector_load_idx %arg9[%broadcast_in_dim3A_40, %gather3A_207] : memref<4x10000xf32, #tpu.memory_space<vmem>>[vector<16xi32>, vector<16xi32>], vector<16xf32>,
        %mul3A_317 = arith.mulf %gather3A_222, %gather3A_316 : vector<16xf32>
        %add3A_318 = arith.addf %add3A_315, %mul3A_317 : vector<16xf32>
        %gather3A_319 = tpu.vector_load_idx %arg9[%broadcast_in_dim3A_40, %gather3A_208] : memref<4x10000xf32, #tpu.memory_space<vmem>>[vector<16xi32>, vector<16xi32>], vector<16xf32>,
        %mul3A_320 = arith.mulf %gather3A_223, %gather3A_319 : vector<16xf32>
        %add3A_321 = arith.addf %add3A_318, %mul3A_320 : vector<16xf32>
        %swap3A_322 = arith.constant 1 : i32
        %swap3A_323 = arith.index_cast %swap3A_322 : i32 to index
        %swap3A_324 = arith.index_cast %min3A_99 : i32 to index
        %swap3A_325 = tpu.vector_load %arg15[%swap3A_323, %swap3A_324] {strides = array<i32>} : memref<4x1000xf32, #tpu.memory_space<vmem>>, vector<16xf32>,
        tpu.vector_store %arg15[%swap3A_323, %swap3A_324], %add3A_321 {strides = array<i32>} : memref<4x1000xf32, #tpu.memory_space<vmem>>, vector<16xf32>,
        %broadcast_in_dim3A_326 = arith.constant 0.000000e+00 : f32
        %broadcast_in_dim3A_327 = vector.broadcast %broadcast_in_dim3A_326 : f32 to vector<16xf32>
        %gather3A_328 = tpu.vector_load_idx %arg9[%broadcast_in_dim3A_42, %gather3A_194] : memref<4x10000xf32, #tpu.memory_space<vmem>>[vector<16xi32>, vector<16xi32>], vector<16xf32>,
        %mul3A_329 = arith.mulf %gather3A_209, %gather3A_328 : vector<16xf32>
        %add3A_330 = arith.addf %broadcast_in_dim3A_327, %mul3A_329 : vector<16xf32>
        %gather3A_331 = tpu.vector_load_idx %arg9[%broadcast_in_dim3A_42, %gather3A_195] : memref<4x10000xf32, #tpu.memory_space<vmem>>[vector<16xi32>, vector<16xi32>], vector<16xf32>,
        %mul3A_332 = arith.mulf %gather3A_210, %gather3A_331 : vector<16xf32>
        %add3A_333 = arith.addf %add3A_330, %mul3A_332 : vector<16xf32>
        %gather3A_334 = tpu.vector_load_idx %arg9[%broadcast_in_dim3A_42, %gather3A_196] : memref<4x10000xf32, #tpu.memory_space<vmem>>[vector<16xi32>, vector<16xi32>], vector<16xf32>,
        %mul3A_335 = arith.mulf %gather3A_211, %gather3A_334 : vector<16xf32>
        %add3A_336 = arith.addf %add3A_333, %mul3A_335 : vector<16xf32>
        %gather3A_337 = tpu.vector_load_idx %arg9[%broadcast_in_dim3A_42, %gather3A_197] : memref<4x10000xf32, #tpu.memory_space<vmem>>[vector<16xi32>, vector<16xi32>], vector<16xf32>,
        %mul3A_338 = arith.mulf %gather3A_212, %gather3A_337 : vector<16xf32>
        %add3A_339 = arith.addf %add3A_336, %mul3A_338 : vector<16xf32>
        %gather3A_340 = tpu.vector_load_idx %arg9[%broadcast_in_dim3A_42, %gather3A_198] : memref<4x10000xf32, #tpu.memory_space<vmem>>[vector<16xi32>, vector<16xi32>], vector<16xf32>,
        %mul3A_341 = arith.mulf %gather3A_213, %gather3A_340 : vector<16xf32>
        %add3A_342 = arith.addf %add3A_339, %mul3A_341 : vector<16xf32>
        %gather3A_343 = tpu.vector_load_idx %arg9[%broadcast_in_dim3A_42, %gather3A_199] : memref<4x10000xf32, #tpu.memory_space<vmem>>[vector<16xi32>, vector<16xi32>], vector<16xf32>,
        %mul3A_344 = arith.mulf %gather3A_214, %gather3A_343 : vector<16xf32>
        %add3A_345 = arith.addf %add3A_342, %mul3A_344 : vector<16xf32>
        %gather3A_346 = tpu.vector_load_idx %arg9[%broadcast_in_dim3A_42, %gather3A_200] : memref<4x10000xf32, #tpu.memory_space<vmem>>[vector<16xi32>, vector<16xi32>], vector<16xf32>,
        %mul3A_347 = arith.mulf %gather3A_215, %gather3A_346 : vector<16xf32>
        %add3A_348 = arith.addf %add3A_345, %mul3A_347 : vector<16xf32>
        %gather3A_349 = tpu.vector_load_idx %arg9[%broadcast_in_dim3A_42, %gather3A_201] : memref<4x10000xf32, #tpu.memory_space<vmem>>[vector<16xi32>, vector<16xi32>], vector<16xf32>,
        %mul3A_350 = arith.mulf %gather3A_216, %gather3A_349 : vector<16xf32>
        %add3A_351 = arith.addf %add3A_348, %mul3A_350 : vector<16xf32>
        %gather3A_352 = tpu.vector_load_idx %arg9[%broadcast_in_dim3A_42, %gather3A_202] : memref<4x10000xf32, #tpu.memory_space<vmem>>[vector<16xi32>, vector<16xi32>], vector<16xf32>,
        %mul3A_353 = arith.mulf %gather3A_217, %gather3A_352 : vector<16xf32>
        %add3A_354 = arith.addf %add3A_351, %mul3A_353 : vector<16xf32>
        %gather3A_355 = tpu.vector_load_idx %arg9[%broadcast_in_dim3A_42, %gather3A_203] : memref<4x10000xf32, #tpu.memory_space<vmem>>[vector<16xi32>, vector<16xi32>], vector<16xf32>,
        %mul3A_356 = arith.mulf %gather3A_218, %gather3A_355 : vector<16xf32>
        %add3A_357 = arith.addf %add3A_354, %mul3A_356 : vector<16xf32>
        %gather3A_358 = tpu.vector_load_idx %arg9[%broadcast_in_dim3A_42, %gather3A_204] : memref<4x10000xf32, #tpu.memory_space<vmem>>[vector<16xi32>, vector<16xi32>], vector<16xf32>,
        %mul3A_359 = arith.mulf %gather3A_219, %gather3A_358 : vector<16xf32>
        %add3A_360 = arith.addf %add3A_357, %mul3A_359 : vector<16xf32>
        %gather3A_361 = tpu.vector_load_idx %arg9[%broadcast_in_dim3A_42, %gather3A_205] : memref<4x10000xf32, #tpu.memory_space<vmem>>[vector<16xi32>, vector<16xi32>], vector<16xf32>,
        %mul3A_362 = arith.mulf %gather3A_220, %gather3A_361 : vector<16xf32>
        %add3A_363 = arith.addf %add3A_360, %mul3A_362 : vector<16xf32>
        %gather3A_364 = tpu.vector_load_idx %arg9[%broadcast_in_dim3A_42, %gather3A_206] : memref<4x10000xf32, #tpu.memory_space<vmem>>[vector<16xi32>, vector<16xi32>], vector<16xf32>,
        %mul3A_365 = arith.mulf %gather3A_221, %gather3A_364 : vector<16xf32>
        %add3A_366 = arith.addf %add3A_363, %mul3A_365 : vector<16xf32>
        %gather3A_367 = tpu.vector_load_idx %arg9[%broadcast_in_dim3A_42, %gather3A_207] : memref<4x10000xf32, #tpu.memory_space<vmem>>[vector<16xi32>, vector<16xi32>], vector<16xf32>,
        %mul3A_368 = arith.mulf %gather3A_222, %gather3A_367 : vector<16xf32>
        %add3A_369 = arith.addf %add3A_366, %mul3A_368 : vector<16xf32>
        %gather3A_370 = tpu.vector_load_idx %arg9[%broadcast_in_dim3A_42, %gather3A_208] : memref<4x10000xf32, #tpu.memory_space<vmem>>[vector<16xi32>, vector<16xi32>], vector<16xf32>,
        %mul3A_371 = arith.mulf %gather3A_223, %gather3A_370 : vector<16xf32>
        %add3A_372 = arith.addf %add3A_369, %mul3A_371 : vector<16xf32>
        %swap3A_373 = arith.constant 2 : i32
        %swap3A_374 = arith.index_cast %swap3A_373 : i32 to index
        %swap3A_375 = arith.index_cast %min3A_99 : i32 to index
        %swap3A_376 = tpu.vector_load %arg15[%swap3A_374, %swap3A_375] {strides = array<i32>} : memref<4x1000xf32, #tpu.memory_space<vmem>>, vector<16xf32>,
        tpu.vector_store %arg15[%swap3A_374, %swap3A_375], %add3A_372 {strides = array<i32>} : memref<4x1000xf32, #tpu.memory_space<vmem>>, vector<16xf32>,
        %broadcast_in_dim3A_377 = arith.constant 0.000000e+00 : f32
        %broadcast_in_dim3A_378 = vector.broadcast %broadcast_in_dim3A_377 : f32 to vector<16xf32>
        %gather3A_379 = tpu.vector_load_idx %arg9[%broadcast_in_dim3A_44, %gather3A_194] : memref<4x10000xf32, #tpu.memory_space<vmem>>[vector<16xi32>, vector<16xi32>], vector<16xf32>,
        %mul3A_380 = arith.mulf %gather3A_209, %gather3A_379 : vector<16xf32>
        %add3A_381 = arith.addf %broadcast_in_dim3A_378, %mul3A_380 : vector<16xf32>
        %gather3A_382 = tpu.vector_load_idx %arg9[%broadcast_in_dim3A_44, %gather3A_195] : memref<4x10000xf32, #tpu.memory_space<vmem>>[vector<16xi32>, vector<16xi32>], vector<16xf32>,
        %mul3A_383 = arith.mulf %gather3A_210, %gather3A_382 : vector<16xf32>
        %add3A_384 = arith.addf %add3A_381, %mul3A_383 : vector<16xf32>
        %gather3A_385 = tpu.vector_load_idx %arg9[%broadcast_in_dim3A_44, %gather3A_196] : memref<4x10000xf32, #tpu.memory_space<vmem>>[vector<16xi32>, vector<16xi32>], vector<16xf32>,
        %mul3A_386 = arith.mulf %gather3A_211, %gather3A_385 : vector<16xf32>
        %add3A_387 = arith.addf %add3A_384, %mul3A_386 : vector<16xf32>
        %gather3A_388 = tpu.vector_load_idx %arg9[%broadcast_in_dim3A_44, %gather3A_197] : memref<4x10000xf32, #tpu.memory_space<vmem>>[vector<16xi32>, vector<16xi32>], vector<16xf32>,
        %mul3A_389 = arith.mulf %gather3A_212, %gather3A_388 : vector<16xf32>
        %add3A_390 = arith.addf %add3A_387, %mul3A_389 : vector<16xf32>
        %gather3A_391 = tpu.vector_load_idx %arg9[%broadcast_in_dim3A_44, %gather3A_198] : memref<4x10000xf32, #tpu.memory_space<vmem>>[vector<16xi32>, vector<16xi32>], vector<16xf32>,
        %mul3A_392 = arith.mulf %gather3A_213, %gather3A_391 : vector<16xf32>
        %add3A_393 = arith.addf %add3A_390, %mul3A_392 : vector<16xf32>
        %gather3A_394 = tpu.vector_load_idx %arg9[%broadcast_in_dim3A_44, %gather3A_199] : memref<4x10000xf32, #tpu.memory_space<vmem>>[vector<16xi32>, vector<16xi32>], vector<16xf32>,
        %mul3A_395 = arith.mulf %gather3A_214, %gather3A_394 : vector<16xf32>
        %add3A_396 = arith.addf %add3A_393, %mul3A_395 : vector<16xf32>
        %gather3A_397 = tpu.vector_load_idx %arg9[%broadcast_in_dim3A_44, %gather3A_200] : memref<4x10000xf32, #tpu.memory_space<vmem>>[vector<16xi32>, vector<16xi32>], vector<16xf32>,
        %mul3A_398 = arith.mulf %gather3A_215, %gather3A_397 : vector<16xf32>
        %add3A_399 = arith.addf %add3A_396, %mul3A_398 : vector<16xf32>
        %gather3A_400 = tpu.vector_load_idx %arg9[%broadcast_in_dim3A_44, %gather3A_201] : memref<4x10000xf32, #tpu.memory_space<vmem>>[vector<16xi32>, vector<16xi32>], vector<16xf32>,
        %mul3A_401 = arith.mulf %gather3A_216, %gather3A_400 : vector<16xf32>
        %add3A_402 = arith.addf %add3A_399, %mul3A_401 : vector<16xf32>
        %gather3A_403 = tpu.vector_load_idx %arg9[%broadcast_in_dim3A_44, %gather3A_202] : memref<4x10000xf32, #tpu.memory_space<vmem>>[vector<16xi32>, vector<16xi32>], vector<16xf32>,
        %mul3A_404 = arith.mulf %gather3A_217, %gather3A_403 : vector<16xf32>
        %add3A_405 = arith.addf %add3A_402, %mul3A_404 : vector<16xf32>
        %gather3A_406 = tpu.vector_load_idx %arg9[%broadcast_in_dim3A_44, %gather3A_203] : memref<4x10000xf32, #tpu.memory_space<vmem>>[vector<16xi32>, vector<16xi32>], vector<16xf32>,
        %mul3A_407 = arith.mulf %gather3A_218, %gather3A_406 : vector<16xf32>
        %add3A_408 = arith.addf %add3A_405, %mul3A_407 : vector<16xf32>
        %gather3A_409 = tpu.vector_load_idx %arg9[%broadcast_in_dim3A_44, %gather3A_204] : memref<4x10000xf32, #tpu.memory_space<vmem>>[vector<16xi32>, vector<16xi32>], vector<16xf32>,
        %mul3A_410 = arith.mulf %gather3A_219, %gather3A_409 : vector<16xf32>
        %add3A_411 = arith.addf %add3A_408, %mul3A_410 : vector<16xf32>
        %gather3A_412 = tpu.vector_load_idx %arg9[%broadcast_in_dim3A_44, %gather3A_205] : memref<4x10000xf32, #tpu.memory_space<vmem>>[vector<16xi32>, vector<16xi32>], vector<16xf32>,
        %mul3A_413 = arith.mulf %gather3A_220, %gather3A_412 : vector<16xf32>
        %add3A_414 = arith.addf %add3A_411, %mul3A_413 : vector<16xf32>
        %gather3A_415 = tpu.vector_load_idx %arg9[%broadcast_in_dim3A_44, %gather3A_206] : memref<4x10000xf32, #tpu.memory_space<vmem>>[vector<16xi32>, vector<16xi32>], vector<16xf32>,
        %mul3A_416 = arith.mulf %gather3A_221, %gather3A_415 : vector<16xf32>
        %add3A_417 = arith.addf %add3A_414, %mul3A_416 : vector<16xf32>
        %gather3A_418 = tpu.vector_load_idx %arg9[%broadcast_in_dim3A_44, %gather3A_207] : memref<4x10000xf32, #tpu.memory_space<vmem>>[vector<16xi32>, vector<16xi32>], vector<16xf32>,
        %mul3A_419 = arith.mulf %gather3A_222, %gather3A_418 : vector<16xf32>
        %add3A_420 = arith.addf %add3A_417, %mul3A_419 : vector<16xf32>
        %gather3A_421 = tpu.vector_load_idx %arg9[%broadcast_in_dim3A_44, %gather3A_208] : memref<4x10000xf32, #tpu.memory_space<vmem>>[vector<16xi32>, vector<16xi32>], vector<16xf32>,
        %mul3A_422 = arith.mulf %gather3A_223, %gather3A_421 : vector<16xf32>
        %add3A_423 = arith.addf %add3A_420, %mul3A_422 : vector<16xf32>
        %swap3A_424 = arith.constant 3 : i32
        %swap3A_425 = arith.index_cast %swap3A_424 : i32 to index
        %swap3A_426 = arith.index_cast %min3A_99 : i32 to index
        %swap3A_427 = tpu.vector_load %arg15[%swap3A_425, %swap3A_426] {strides = array<i32>} : memref<4x1000xf32, #tpu.memory_space<vmem>>, vector<16xf32>,
        tpu.vector_store %arg15[%swap3A_425, %swap3A_426], %add3A_423 {strides = array<i32>} : memref<4x1000xf32, #tpu.memory_space<vmem>>, vector<16xf32>,
        %scan3A_428 = arith.constant 0 : i32
        scf.yield %scan3A_428 : i32
      }
      %scan3A_90 = arith.constant 63 : i32
      %mul3A_91 = arith.constant 4 : i32
      %mul3A_92 = arith.muli %select_n3A_12, %mul3A_91 : i32
      "tpu.region"() ({
        %run_scoped3A = tpu.sem_alloc : memref<!tpu.dma_semaphore, #tpu.memory_space<semaphore_mem>>
        %dma_start3A = tpu.memref_slice %arg7[%mul3A_92, %mul3A_35] : memref<12x10000xf32, #tpu.memory_space<hbm>> -> memref<4x1000xf32, #tpu.memory_space<hbm>>
        %dma_start3A_95 = tpu.memref_slice %arg7[%mul3A_92, %mul3A_35] : memref<12x10000xf32, #tpu.memory_space<hbm>> -> memref<4x1000xf32, #tpu.memory_space<hbm>>
        tpu.enqueue_dma source(%arg14 : memref<4x1000xf32, #tpu.memory_space<vmem>>) target(%dma_start3A_95 : memref<4x1000xf32, #tpu.memory_space<hbm>>) target_semaphore(%run_scoped3A : memref<!tpu.dma_semaphore, #tpu.memory_space<semaphore_mem>>)
        %dma_wait3A = tpu.memref_slice %arg7[%mul3A_92, %mul3A_35] : memref<12x10000xf32, #tpu.memory_space<hbm>> -> memref<4x1000xf32, #tpu.memory_space<hbm>>
        %dma_wait3A_96 = tpu.memref_slice %arg7[%mul3A_92, %mul3A_35] : memref<12x10000xf32, #tpu.memory_space<hbm>> -> memref<4x1000xf32, #tpu.memory_space<hbm>>
        tpu.wait_dma2 semaphore(%run_scoped3A : memref<!tpu.dma_semaphore, #tpu.memory_space<semaphore_mem>>) src(%arg14 : memref<4x1000xf32, #tpu.memory_space<vmem>>) dst(%dma_wait3A_96 : memref<4x1000xf32, #tpu.memory_space<hbm>>)
        tpu.yield
      }) : () -> ()
      %mul3A_93 = arith.constant 4 : i32
      %mul3A_94 = arith.muli %select_n3A_12, %mul3A_93 : i32
      "tpu.region"() ({
        %run_scoped3A = tpu.sem_alloc : memref<!tpu.dma_semaphore, #tpu.memory_space<semaphore_mem>>
        %dma_start3A = tpu.memref_slice %arg8[%mul3A_94, %mul3A_35] : memref<12x10000xf32, #tpu.memory_space<hbm>> -> memref<4x1000xf32, #tpu.memory_space<hbm>>
        %dma_start3A_95 = tpu.memref_slice %arg8[%mul3A_94, %mul3A_35] : memref<12x10000xf32, #tpu.memory_space<hbm>> -> memref<4x1000xf32, #tpu.memory_space<hbm>>
        tpu.enqueue_dma source(%arg15 : memref<4x1000xf32, #tpu.memory_space<vmem>>) target(%dma_start3A_95 : memref<4x1000xf32, #tpu.memory_space<hbm>>) target_semaphore(%run_scoped3A : memref<!tpu.dma_semaphore, #tpu.memory_space<semaphore_mem>>)
        %dma_wait3A = tpu.memref_slice %arg8[%mul3A_94, %mul3A_35] : memref<12x10000xf32, #tpu.memory_space<hbm>> -> memref<4x1000xf32, #tpu.memory_space<hbm>>
        %dma_wait3A_96 = tpu.memref_slice %arg8[%mul3A_94, %mul3A_35] : memref<12x10000xf32, #tpu.memory_space<hbm>> -> memref<4x1000xf32, #tpu.memory_space<hbm>>
        tpu.wait_dma2 semaphore(%run_scoped3A : memref<!tpu.dma_semaphore, #tpu.memory_space<semaphore_mem>>) src(%arg15 : memref<4x1000xf32, #tpu.memory_space<vmem>>) dst(%dma_wait3A_96 : memref<4x1000xf32, #tpu.memory_space<hbm>>)
        tpu.yield
      }) : () -> ()
    } else {
    }
    return
  }
}

module attributes {stable_mosaic.version = 14 : i64} {
  func.func @_prep_body(%arg0: memref<4x10000xf32, #tpu.memory_space<vmem>>, %arg1: memref<4x10000xf32, #tpu.memory_space<vmem>>, %arg2: memref<1x10000xi32, #tpu.memory_space<vmem>>, %arg3: memref<16x10000xf32, #tpu.memory_space<vmem>>, %arg4: memref<5x13xf32, #tpu.memory_space<vmem>>) attributes {dimension_semantics = [], scalar_prefetch = 0 : i64, scratch_operands = 0 : i64, tpu.core_type = #tpu.core_type<tc>} {
    %get3A = arith.constant 0 : index
    %get3A_0 = arith.constant 0 : index
    %get3A_1 = vector.load %arg0[%get3A, %get3A_0] : memref<4x10000xf32, #tpu.memory_space<vmem>>, vector<4x10000xf32>
    %get3A_2 = arith.constant 0 : index
    %get3A_3 = arith.constant 0 : index
    %get3A_4 = vector.load %arg1[%get3A_2, %get3A_3] : memref<4x10000xf32, #tpu.memory_space<vmem>>, vector<4x10000xf32>
    %cos3A = math.cos %get3A_4 : vector<4x10000xf32>
    %sin3A = math.sin %get3A_4 : vector<4x10000xf32>
    %concatenate3A = tpu.concatenate %get3A_1, %cos3A, %sin3A, %get3A_4 in 0 : vector<4x10000xf32>, vector<4x10000xf32>, vector<4x10000xf32>, vector<4x10000xf32> -> vector<16x10000xf32>
    %swap3A = arith.constant 0 : index
    %swap3A_5 = arith.constant 0 : index
    %swap3A_6 = vector.load %arg3[%swap3A, %swap3A_5] : memref<16x10000xf32, #tpu.memory_space<vmem>>, vector<16x10000xf32>
    tpu.vector_store %arg3[%swap3A, %swap3A_5], %concatenate3A {strides = array<i32>} : memref<16x10000xf32, #tpu.memory_space<vmem>>, vector<16x10000xf32>,
    %get3A_7 = arith.constant 0 : index
    %get3A_8 = arith.constant 0 : index
    %get3A_9 = vector.load %arg2[%get3A_7, %get3A_8] : memref<1x10000xi32, #tpu.memory_space<vmem>>, vector<1x10000xi32>
    %slice3A = vector.extract_strided_slice %concatenate3A {offsets = [0, 0], sizes = [12, 10000], strides = [1, 1]} : vector<16x10000xf32> to vector<12x10000xf32>
    %broadcast_in_dim3A = arith.constant 1.000000e+00 : f32
    %broadcast_in_dim3A_10 = vector.broadcast %broadcast_in_dim3A : f32 to vector<1x10000xf32>
    %concatenate3A_11 = tpu.concatenate %slice3A, %broadcast_in_dim3A_10 in 0 : vector<12x10000xf32>, vector<1x10000xf32> -> vector<13x10000xf32>
    %eq3A = arith.constant 0 : i32
    %eq3A_12 = vector.broadcast %eq3A : i32 to vector<1x10000xi32>
    %eq3A_13 = arith.cmpi eq, %get3A_9, %eq3A_12 : vector<1x10000xi32>
    %convert_element_type3A = arith.extui %eq3A_13 : vector<1x10000xi1> to vector<1x10000xi32>
    %convert_element_type3A_14 = arith.sitofp %convert_element_type3A : vector<1x10000xi32> to vector<1x10000xf32>
    %mul3A = vector.broadcast %convert_element_type3A_14 : vector<1x10000xf32> to vector<13x10000xf32>
    %mul3A_15 = arith.mulf %concatenate3A_11, %mul3A : vector<13x10000xf32>
    %reduce_sum3A = arith.constant dense<0.000000e+00> : vector<13xf32>
    %reduce_sum3A_16 = vector.multi_reduction <add>, %mul3A_15, %reduce_sum3A [1] : vector<13x10000xf32> to vector<13xf32>
    %swap3A_17 = arith.constant 0 : index
    %swap3A_18 = arith.constant 0 : index
    %swap3A_19 = vector.load %arg4[%swap3A_17, %swap3A_18] : memref<5x13xf32, #tpu.memory_space<vmem>>, vector<1x13xf32>
    %swap3A_20 = vector.shape_cast %swap3A_19 : vector<1x13xf32> to vector<13xf32>
    %swap3A_21 = vector.shape_cast %reduce_sum3A_16 : vector<13xf32> to vector<1x13xf32>
    tpu.vector_store %arg4[%swap3A_17, %swap3A_18], %swap3A_21 {strides = array<i32>} : memref<5x13xf32, #tpu.memory_space<vmem>>, vector<1x13xf32>,
    %eq3A_22 = arith.constant 1 : i32
    %eq3A_23 = vector.broadcast %eq3A_22 : i32 to vector<1x10000xi32>
    %eq3A_24 = arith.cmpi eq, %get3A_9, %eq3A_23 : vector<1x10000xi32>
    %convert_element_type3A_25 = arith.extui %eq3A_24 : vector<1x10000xi1> to vector<1x10000xi32>
    %convert_element_type3A_26 = arith.sitofp %convert_element_type3A_25 : vector<1x10000xi32> to vector<1x10000xf32>
    %mul3A_27 = vector.broadcast %convert_element_type3A_26 : vector<1x10000xf32> to vector<13x10000xf32>
    %mul3A_28 = arith.mulf %concatenate3A_11, %mul3A_27 : vector<13x10000xf32>
    %reduce_sum3A_29 = arith.constant dense<0.000000e+00> : vector<13xf32>
    %reduce_sum3A_30 = vector.multi_reduction <add>, %mul3A_28, %reduce_sum3A_29 [1] : vector<13x10000xf32> to vector<13xf32>
    %swap3A_31 = arith.constant 1 : index
    %swap3A_32 = arith.constant 0 : index
    %swap3A_33 = vector.load %arg4[%swap3A_31, %swap3A_32] : memref<5x13xf32, #tpu.memory_space<vmem>>, vector<1x13xf32>
    %swap3A_34 = vector.shape_cast %swap3A_33 : vector<1x13xf32> to vector<13xf32>
    %swap3A_35 = vector.shape_cast %reduce_sum3A_30 : vector<13xf32> to vector<1x13xf32>
    tpu.vector_store %arg4[%swap3A_31, %swap3A_32], %swap3A_35 {strides = array<i32>} : memref<5x13xf32, #tpu.memory_space<vmem>>, vector<1x13xf32>,
    %eq3A_36 = arith.constant 2 : i32
    %eq3A_37 = vector.broadcast %eq3A_36 : i32 to vector<1x10000xi32>
    %eq3A_38 = arith.cmpi eq, %get3A_9, %eq3A_37 : vector<1x10000xi32>
    %convert_element_type3A_39 = arith.extui %eq3A_38 : vector<1x10000xi1> to vector<1x10000xi32>
    %convert_element_type3A_40 = arith.sitofp %convert_element_type3A_39 : vector<1x10000xi32> to vector<1x10000xf32>
    %mul3A_41 = vector.broadcast %convert_element_type3A_40 : vector<1x10000xf32> to vector<13x10000xf32>
    %mul3A_42 = arith.mulf %concatenate3A_11, %mul3A_41 : vector<13x10000xf32>
    %reduce_sum3A_43 = arith.constant dense<0.000000e+00> : vector<13xf32>
    %reduce_sum3A_44 = vector.multi_reduction <add>, %mul3A_42, %reduce_sum3A_43 [1] : vector<13x10000xf32> to vector<13xf32>
    %swap3A_45 = arith.constant 2 : index
    %swap3A_46 = arith.constant 0 : index
    %swap3A_47 = vector.load %arg4[%swap3A_45, %swap3A_46] : memref<5x13xf32, #tpu.memory_space<vmem>>, vector<1x13xf32>
    %swap3A_48 = vector.shape_cast %swap3A_47 : vector<1x13xf32> to vector<13xf32>
    %swap3A_49 = vector.shape_cast %reduce_sum3A_44 : vector<13xf32> to vector<1x13xf32>
    tpu.vector_store %arg4[%swap3A_45, %swap3A_46], %swap3A_49 {strides = array<i32>} : memref<5x13xf32, #tpu.memory_space<vmem>>, vector<1x13xf32>,
    %eq3A_50 = arith.constant 3 : i32
    %eq3A_51 = vector.broadcast %eq3A_50 : i32 to vector<1x10000xi32>
    %eq3A_52 = arith.cmpi eq, %get3A_9, %eq3A_51 : vector<1x10000xi32>
    %convert_element_type3A_53 = arith.extui %eq3A_52 : vector<1x10000xi1> to vector<1x10000xi32>
    %convert_element_type3A_54 = arith.sitofp %convert_element_type3A_53 : vector<1x10000xi32> to vector<1x10000xf32>
    %mul3A_55 = vector.broadcast %convert_element_type3A_54 : vector<1x10000xf32> to vector<13x10000xf32>
    %mul3A_56 = arith.mulf %concatenate3A_11, %mul3A_55 : vector<13x10000xf32>
    %reduce_sum3A_57 = arith.constant dense<0.000000e+00> : vector<13xf32>
    %reduce_sum3A_58 = vector.multi_reduction <add>, %mul3A_56, %reduce_sum3A_57 [1] : vector<13x10000xf32> to vector<13xf32>
    %swap3A_59 = arith.constant 3 : index
    %swap3A_60 = arith.constant 0 : index
    %swap3A_61 = vector.load %arg4[%swap3A_59, %swap3A_60] : memref<5x13xf32, #tpu.memory_space<vmem>>, vector<1x13xf32>
    %swap3A_62 = vector.shape_cast %swap3A_61 : vector<1x13xf32> to vector<13xf32>
    %swap3A_63 = vector.shape_cast %reduce_sum3A_58 : vector<13xf32> to vector<1x13xf32>
    tpu.vector_store %arg4[%swap3A_59, %swap3A_60], %swap3A_63 {strides = array<i32>} : memref<5x13xf32, #tpu.memory_space<vmem>>, vector<1x13xf32>,
    %eq3A_64 = arith.constant 4 : i32
    %eq3A_65 = vector.broadcast %eq3A_64 : i32 to vector<1x10000xi32>
    %eq3A_66 = arith.cmpi eq, %get3A_9, %eq3A_65 : vector<1x10000xi32>
    %convert_element_type3A_67 = arith.extui %eq3A_66 : vector<1x10000xi1> to vector<1x10000xi32>
    %convert_element_type3A_68 = arith.sitofp %convert_element_type3A_67 : vector<1x10000xi32> to vector<1x10000xf32>
    %mul3A_69 = vector.broadcast %convert_element_type3A_68 : vector<1x10000xf32> to vector<13x10000xf32>
    %mul3A_70 = arith.mulf %concatenate3A_11, %mul3A_69 : vector<13x10000xf32>
    %reduce_sum3A_71 = arith.constant dense<0.000000e+00> : vector<13xf32>
    %reduce_sum3A_72 = vector.multi_reduction <add>, %mul3A_70, %reduce_sum3A_71 [1] : vector<13x10000xf32> to vector<13xf32>
    %swap3A_73 = arith.constant 4 : index
    %swap3A_74 = arith.constant 0 : index
    %swap3A_75 = vector.load %arg4[%swap3A_73, %swap3A_74] : memref<5x13xf32, #tpu.memory_space<vmem>>, vector<1x13xf32>
    %swap3A_76 = vector.shape_cast %swap3A_75 : vector<1x13xf32> to vector<13xf32>
    %swap3A_77 = vector.shape_cast %reduce_sum3A_72 : vector<13xf32> to vector<1x13xf32>
    tpu.vector_store %arg4[%swap3A_73, %swap3A_74], %swap3A_77 {strides = array<i32>} : memref<5x13xf32, #tpu.memory_space<vmem>>, vector<1x13xf32>,
    return
  }
}

module attributes {stable_mosaic.version = 14 : i64} {
  func.func @_signal_body(%arg0: i32, %arg1: memref<200x1xf32, #tpu.memory_space<vmem>>, %arg2: memref<16x10000xf32, #tpu.memory_space<vmem>>, %arg3: memref<12x10000xf32, #tpu.memory_space<vmem>>, %arg4: memref<12x10000xf32, #tpu.memory_space<vmem>>, %arg5: memref<1x10000xi32, #tpu.memory_space<vmem>>, %arg6: memref<5x13xf32, #tpu.memory_space<vmem>>, %arg7: memref<1x10000xf32, #tpu.memory_space<vmem>>, %arg8: memref<1x10000xf32, #tpu.memory_space<vmem>>, %arg9: memref<200x10000xf32, #tpu.memory_space<vmem>>, %arg10: memref<10x10000xf32, #tpu.memory_space<vmem>>) attributes {dimension_semantics = [#tpu.dimension_semantics<arbitrary>], iteration_bounds = array<i64: 5>, scalar_prefetch = 0 : i64, scratch_operands = 1 : i64, tpu.core_type = #tpu.core_type<tc>, window_params = [{transform_indices = @transform_0, window_bounds = array<i64: 200, 1>}, {pipeline_mode = #tpu.pipeline_mode<synchronous>, transform_indices = @transform_1, window_bounds = array<i64: 16, 10000>}, {pipeline_mode = #tpu.pipeline_mode<synchronous>, transform_indices = @transform_2, window_bounds = array<i64: 12, 10000>}, {pipeline_mode = #tpu.pipeline_mode<synchronous>, transform_indices = @transform_3, window_bounds = array<i64: 12, 10000>}, {pipeline_mode = #tpu.pipeline_mode<synchronous>, transform_indices = @transform_4, window_bounds = array<i64: 1, 10000>}, {pipeline_mode = #tpu.pipeline_mode<synchronous>, transform_indices = @transform_5, window_bounds = array<i64: 5, 13>}, {pipeline_mode = #tpu.pipeline_mode<synchronous>, transform_indices = @transform_6, window_bounds = array<i64: 1, 10000>}, {pipeline_mode = #tpu.pipeline_mode<synchronous>, transform_indices = @transform_7, window_bounds = array<i64: 1, 10000>}, {transform_indices = @transform_8, window_bounds = array<i64: 200, 10000>}]} {
    %eq3A = arith.constant 0 : i32
    %eq3A_0 = arith.cmpi eq, %arg0, %eq3A : i32
    %convert_element_type3A = arith.extui %eq3A_0 : i1 to i32
    %cond3A = arith.constant 0 : i32
    %cond3A_1 = arith.cmpi ne, %convert_element_type3A, %cond3A : i32
    scf.if %cond3A_1 {
      %get3A_40 = arith.constant 0 : index
      %get3A_41 = arith.constant 0 : index
      %get3A_42 = vector.load %arg5[%get3A_40, %get3A_41] : memref<1x10000xi32, #tpu.memory_space<vmem>>, vector<1x10000xi32>
      %get3A_43 = arith.constant 0 : index
      %get3A_44 = arith.constant 0 : index
      %get3A_45 = vector.load %arg6[%get3A_43, %get3A_44] : memref<5x13xf32, #tpu.memory_space<vmem>>, vector<5x13xf32>
      %broadcast_in_dim3A_46 = arith.constant 0.000000e+00 : f32
      %broadcast_in_dim3A_47 = vector.broadcast %broadcast_in_dim3A_46 : f32 to vector<1x10000xf32>
      %broadcast_in_dim3A_48 = arith.constant 0.000000e+00 : f32
      %broadcast_in_dim3A_49 = vector.broadcast %broadcast_in_dim3A_48 : f32 to vector<1x10000xf32>
      %broadcast_in_dim3A_50 = arith.constant 0.000000e+00 : f32
      %broadcast_in_dim3A_51 = vector.broadcast %broadcast_in_dim3A_50 : f32 to vector<1x10000xf32>
      %broadcast_in_dim3A_52 = arith.constant 0.000000e+00 : f32
      %broadcast_in_dim3A_53 = vector.broadcast %broadcast_in_dim3A_52 : f32 to vector<1x10000xf32>
      %broadcast_in_dim3A_54 = arith.constant 0.000000e+00 : f32
      %broadcast_in_dim3A_55 = vector.broadcast %broadcast_in_dim3A_54 : f32 to vector<1x10000xf32>
      %broadcast_in_dim3A_56 = arith.constant 0.000000e+00 : f32
      %broadcast_in_dim3A_57 = vector.broadcast %broadcast_in_dim3A_56 : f32 to vector<1x10000xf32>
      %broadcast_in_dim3A_58 = arith.constant 0.000000e+00 : f32
      %broadcast_in_dim3A_59 = vector.broadcast %broadcast_in_dim3A_58 : f32 to vector<1x10000xf32>
      %broadcast_in_dim3A_60 = arith.constant 0.000000e+00 : f32
      %broadcast_in_dim3A_61 = vector.broadcast %broadcast_in_dim3A_60 : f32 to vector<1x10000xf32>
      %broadcast_in_dim3A_62 = arith.constant 0.000000e+00 : f32
      %broadcast_in_dim3A_63 = vector.broadcast %broadcast_in_dim3A_62 : f32 to vector<1x10000xf32>
      %broadcast_in_dim3A_64 = arith.constant 0.000000e+00 : f32
      %broadcast_in_dim3A_65 = vector.broadcast %broadcast_in_dim3A_64 : f32 to vector<1x10000xf32>
      %broadcast_in_dim3A_66 = arith.constant 0.000000e+00 : f32
      %broadcast_in_dim3A_67 = vector.broadcast %broadcast_in_dim3A_66 : f32 to vector<1x10000xf32>
      %broadcast_in_dim3A_68 = arith.constant 0.000000e+00 : f32
      %broadcast_in_dim3A_69 = vector.broadcast %broadcast_in_dim3A_68 : f32 to vector<1x10000xf32>
      %eq3A_70 = arith.constant 0 : i32
      %eq3A_71 = vector.broadcast %eq3A_70 : i32 to vector<1x10000xi32>
      %eq3A_72 = arith.cmpi eq, %get3A_42, %eq3A_71 : vector<1x10000xi32>
      %convert_element_type3A_73 = arith.extui %eq3A_72 : vector<1x10000xi1> to vector<1x10000xi32>
      %convert_element_type3A_74 = arith.sitofp %convert_element_type3A_73 : vector<1x10000xi32> to vector<1x10000xf32>
      %slice3A = vector.extract_strided_slice %get3A_45 {offsets = [0, 12], sizes = [1, 1], strides = [1, 1]} : vector<5x13xf32> to vector<1x1xf32>
      %squeeze3A = vector.extract %slice3A[0, 0] : f32 from vector<1x1xf32>
      %max3A = arith.constant 1.000000e+00 : f32
      %max3A_75 = arith.maximumf %squeeze3A, %max3A : f32
      %slice3A_76 = vector.extract_strided_slice %get3A_45 {offsets = [0, 0], sizes = [1, 1], strides = [1, 1]} : vector<5x13xf32> to vector<1x1xf32>
      %squeeze3A_77 = vector.extract %slice3A_76[0, 0] : f32 from vector<1x1xf32>
      %div3A = arith.divf %squeeze3A_77, %max3A_75 : f32
      %mul3A_78 = vector.broadcast %div3A : f32 to vector<1x10000xf32>
      %mul3A_79 = arith.mulf %convert_element_type3A_74, %mul3A_78 : vector<1x10000xf32>
      %add3A = arith.addf %broadcast_in_dim3A_47, %mul3A_79 : vector<1x10000xf32>
      %slice3A_80 = vector.extract_strided_slice %get3A_45 {offsets = [0, 1], sizes = [1, 1], strides = [1, 1]} : vector<5x13xf32> to vector<1x1xf32>
      %squeeze3A_81 = vector.extract %slice3A_80[0, 0] : f32 from vector<1x1xf32>
      %div3A_82 = arith.divf %squeeze3A_81, %max3A_75 : f32
      %mul3A_83 = vector.broadcast %div3A_82 : f32 to vector<1x10000xf32>
      %mul3A_84 = arith.mulf %convert_element_type3A_74, %mul3A_83 : vector<1x10000xf32>
      %add3A_85 = arith.addf %broadcast_in_dim3A_49, %mul3A_84 : vector<1x10000xf32>
      %slice3A_86 = vector.extract_strided_slice %get3A_45 {offsets = [0, 2], sizes = [1, 1], strides = [1, 1]} : vector<5x13xf32> to vector<1x1xf32>
      %squeeze3A_87 = vector.extract %slice3A_86[0, 0] : f32 from vector<1x1xf32>
      %div3A_88 = arith.divf %squeeze3A_87, %max3A_75 : f32
      %mul3A_89 = vector.broadcast %div3A_88 : f32 to vector<1x10000xf32>
      %mul3A_90 = arith.mulf %convert_element_type3A_74, %mul3A_89 : vector<1x10000xf32>
      %add3A_91 = arith.addf %broadcast_in_dim3A_51, %mul3A_90 : vector<1x10000xf32>
      %slice3A_92 = vector.extract_strided_slice %get3A_45 {offsets = [0, 3], sizes = [1, 1], strides = [1, 1]} : vector<5x13xf32> to vector<1x1xf32>
      %squeeze3A_93 = vector.extract %slice3A_92[0, 0] : f32 from vector<1x1xf32>
      %div3A_94 = arith.divf %squeeze3A_93, %max3A_75 : f32
      %mul3A_95 = vector.broadcast %div3A_94 : f32 to vector<1x10000xf32>
      %mul3A_96 = arith.mulf %convert_element_type3A_74, %mul3A_95 : vector<1x10000xf32>
      %add3A_97 = arith.addf %broadcast_in_dim3A_53, %mul3A_96 : vector<1x10000xf32>
      %slice3A_98 = vector.extract_strided_slice %get3A_45 {offsets = [0, 4], sizes = [1, 1], strides = [1, 1]} : vector<5x13xf32> to vector<1x1xf32>
      %squeeze3A_99 = vector.extract %slice3A_98[0, 0] : f32 from vector<1x1xf32>
      %div3A_100 = arith.divf %squeeze3A_99, %max3A_75 : f32
      %mul3A_101 = vector.broadcast %div3A_100 : f32 to vector<1x10000xf32>
      %mul3A_102 = arith.mulf %convert_element_type3A_74, %mul3A_101 : vector<1x10000xf32>
      %add3A_103 = arith.addf %broadcast_in_dim3A_55, %mul3A_102 : vector<1x10000xf32>
      %slice3A_104 = vector.extract_strided_slice %get3A_45 {offsets = [0, 5], sizes = [1, 1], strides = [1, 1]} : vector<5x13xf32> to vector<1x1xf32>
      %squeeze3A_105 = vector.extract %slice3A_104[0, 0] : f32 from vector<1x1xf32>
      %div3A_106 = arith.divf %squeeze3A_105, %max3A_75 : f32
      %mul3A_107 = vector.broadcast %div3A_106 : f32 to vector<1x10000xf32>
      %mul3A_108 = arith.mulf %convert_element_type3A_74, %mul3A_107 : vector<1x10000xf32>
      %add3A_109 = arith.addf %broadcast_in_dim3A_57, %mul3A_108 : vector<1x10000xf32>
      %slice3A_110 = vector.extract_strided_slice %get3A_45 {offsets = [0, 6], sizes = [1, 1], strides = [1, 1]} : vector<5x13xf32> to vector<1x1xf32>
      %squeeze3A_111 = vector.extract %slice3A_110[0, 0] : f32 from vector<1x1xf32>
      %div3A_112 = arith.divf %squeeze3A_111, %max3A_75 : f32
      %mul3A_113 = vector.broadcast %div3A_112 : f32 to vector<1x10000xf32>
      %mul3A_114 = arith.mulf %convert_element_type3A_74, %mul3A_113 : vector<1x10000xf32>
      %add3A_115 = arith.addf %broadcast_in_dim3A_59, %mul3A_114 : vector<1x10000xf32>
      %slice3A_116 = vector.extract_strided_slice %get3A_45 {offsets = [0, 7], sizes = [1, 1], strides = [1, 1]} : vector<5x13xf32> to vector<1x1xf32>
      %squeeze3A_117 = vector.extract %slice3A_116[0, 0] : f32 from vector<1x1xf32>
      %div3A_118 = arith.divf %squeeze3A_117, %max3A_75 : f32
      %mul3A_119 = vector.broadcast %div3A_118 : f32 to vector<1x10000xf32>
      %mul3A_120 = arith.mulf %convert_element_type3A_74, %mul3A_119 : vector<1x10000xf32>
      %add3A_121 = arith.addf %broadcast_in_dim3A_61, %mul3A_120 : vector<1x10000xf32>
      %slice3A_122 = vector.extract_strided_slice %get3A_45 {offsets = [0, 8], sizes = [1, 1], strides = [1, 1]} : vector<5x13xf32> to vector<1x1xf32>
      %squeeze3A_123 = vector.extract %slice3A_122[0, 0] : f32 from vector<1x1xf32>
      %div3A_124 = arith.divf %squeeze3A_123, %max3A_75 : f32
      %mul3A_125 = vector.broadcast %div3A_124 : f32 to vector<1x10000xf32>
      %mul3A_126 = arith.mulf %convert_element_type3A_74, %mul3A_125 : vector<1x10000xf32>
      %add3A_127 = arith.addf %broadcast_in_dim3A_63, %mul3A_126 : vector<1x10000xf32>
      %slice3A_128 = vector.extract_strided_slice %get3A_45 {offsets = [0, 9], sizes = [1, 1], strides = [1, 1]} : vector<5x13xf32> to vector<1x1xf32>
      %squeeze3A_129 = vector.extract %slice3A_128[0, 0] : f32 from vector<1x1xf32>
      %div3A_130 = arith.divf %squeeze3A_129, %max3A_75 : f32
      %mul3A_131 = vector.broadcast %div3A_130 : f32 to vector<1x10000xf32>
      %mul3A_132 = arith.mulf %convert_element_type3A_74, %mul3A_131 : vector<1x10000xf32>
      %add3A_133 = arith.addf %broadcast_in_dim3A_65, %mul3A_132 : vector<1x10000xf32>
      %slice3A_134 = vector.extract_strided_slice %get3A_45 {offsets = [0, 10], sizes = [1, 1], strides = [1, 1]} : vector<5x13xf32> to vector<1x1xf32>
      %squeeze3A_135 = vector.extract %slice3A_134[0, 0] : f32 from vector<1x1xf32>
      %div3A_136 = arith.divf %squeeze3A_135, %max3A_75 : f32
      %mul3A_137 = vector.broadcast %div3A_136 : f32 to vector<1x10000xf32>
      %mul3A_138 = arith.mulf %convert_element_type3A_74, %mul3A_137 : vector<1x10000xf32>
      %add3A_139 = arith.addf %broadcast_in_dim3A_67, %mul3A_138 : vector<1x10000xf32>
      %slice3A_140 = vector.extract_strided_slice %get3A_45 {offsets = [0, 11], sizes = [1, 1], strides = [1, 1]} : vector<5x13xf32> to vector<1x1xf32>
      %squeeze3A_141 = vector.extract %slice3A_140[0, 0] : f32 from vector<1x1xf32>
      %div3A_142 = arith.divf %squeeze3A_141, %max3A_75 : f32
      %mul3A_143 = vector.broadcast %div3A_142 : f32 to vector<1x10000xf32>
      %mul3A_144 = arith.mulf %convert_element_type3A_74, %mul3A_143 : vector<1x10000xf32>
      %add3A_145 = arith.addf %broadcast_in_dim3A_69, %mul3A_144 : vector<1x10000xf32>
      %eq3A_146 = arith.constant 1 : i32
      %eq3A_147 = vector.broadcast %eq3A_146 : i32 to vector<1x10000xi32>
      %eq3A_148 = arith.cmpi eq, %get3A_42, %eq3A_147 : vector<1x10000xi32>
      %convert_element_type3A_149 = arith.extui %eq3A_148 : vector<1x10000xi1> to vector<1x10000xi32>
      %convert_element_type3A_150 = arith.sitofp %convert_element_type3A_149 : vector<1x10000xi32> to vector<1x10000xf32>
      %slice3A_151 = vector.extract_strided_slice %get3A_45 {offsets = [1, 12], sizes = [1, 1], strides = [1, 1]} : vector<5x13xf32> to vector<1x1xf32>
      %squeeze3A_152 = vector.extract %slice3A_151[0, 0] : f32 from vector<1x1xf32>
      %max3A_153 = arith.constant 1.000000e+00 : f32
      %max3A_154 = arith.maximumf %squeeze3A_152, %max3A_153 : f32
      %slice3A_155 = vector.extract_strided_slice %get3A_45 {offsets = [1, 0], sizes = [1, 1], strides = [1, 1]} : vector<5x13xf32> to vector<1x1xf32>
      %squeeze3A_156 = vector.extract %slice3A_155[0, 0] : f32 from vector<1x1xf32>
      %div3A_157 = arith.divf %squeeze3A_156, %max3A_154 : f32
      %mul3A_158 = vector.broadcast %div3A_157 : f32 to vector<1x10000xf32>
      %mul3A_159 = arith.mulf %convert_element_type3A_150, %mul3A_158 : vector<1x10000xf32>
      %add3A_160 = arith.addf %add3A, %mul3A_159 : vector<1x10000xf32>
      %slice3A_161 = vector.extract_strided_slice %get3A_45 {offsets = [1, 1], sizes = [1, 1], strides = [1, 1]} : vector<5x13xf32> to vector<1x1xf32>
      %squeeze3A_162 = vector.extract %slice3A_161[0, 0] : f32 from vector<1x1xf32>
      %div3A_163 = arith.divf %squeeze3A_162, %max3A_154 : f32
      %mul3A_164 = vector.broadcast %div3A_163 : f32 to vector<1x10000xf32>
      %mul3A_165 = arith.mulf %convert_element_type3A_150, %mul3A_164 : vector<1x10000xf32>
      %add3A_166 = arith.addf %add3A_85, %mul3A_165 : vector<1x10000xf32>
      %slice3A_167 = vector.extract_strided_slice %get3A_45 {offsets = [1, 2], sizes = [1, 1], strides = [1, 1]} : vector<5x13xf32> to vector<1x1xf32>
      %squeeze3A_168 = vector.extract %slice3A_167[0, 0] : f32 from vector<1x1xf32>
      %div3A_169 = arith.divf %squeeze3A_168, %max3A_154 : f32
      %mul3A_170 = vector.broadcast %div3A_169 : f32 to vector<1x10000xf32>
      %mul3A_171 = arith.mulf %convert_element_type3A_150, %mul3A_170 : vector<1x10000xf32>
      %add3A_172 = arith.addf %add3A_91, %mul3A_171 : vector<1x10000xf32>
      %slice3A_173 = vector.extract_strided_slice %get3A_45 {offsets = [1, 3], sizes = [1, 1], strides = [1, 1]} : vector<5x13xf32> to vector<1x1xf32>
      %squeeze3A_174 = vector.extract %slice3A_173[0, 0] : f32 from vector<1x1xf32>
      %div3A_175 = arith.divf %squeeze3A_174, %max3A_154 : f32
      %mul3A_176 = vector.broadcast %div3A_175 : f32 to vector<1x10000xf32>
      %mul3A_177 = arith.mulf %convert_element_type3A_150, %mul3A_176 : vector<1x10000xf32>
      %add3A_178 = arith.addf %add3A_97, %mul3A_177 : vector<1x10000xf32>
      %slice3A_179 = vector.extract_strided_slice %get3A_45 {offsets = [1, 4], sizes = [1, 1], strides = [1, 1]} : vector<5x13xf32> to vector<1x1xf32>
      %squeeze3A_180 = vector.extract %slice3A_179[0, 0] : f32 from vector<1x1xf32>
      %div3A_181 = arith.divf %squeeze3A_180, %max3A_154 : f32
      %mul3A_182 = vector.broadcast %div3A_181 : f32 to vector<1x10000xf32>
      %mul3A_183 = arith.mulf %convert_element_type3A_150, %mul3A_182 : vector<1x10000xf32>
      %add3A_184 = arith.addf %add3A_103, %mul3A_183 : vector<1x10000xf32>
      %slice3A_185 = vector.extract_strided_slice %get3A_45 {offsets = [1, 5], sizes = [1, 1], strides = [1, 1]} : vector<5x13xf32> to vector<1x1xf32>
      %squeeze3A_186 = vector.extract %slice3A_185[0, 0] : f32 from vector<1x1xf32>
      %div3A_187 = arith.divf %squeeze3A_186, %max3A_154 : f32
      %mul3A_188 = vector.broadcast %div3A_187 : f32 to vector<1x10000xf32>
      %mul3A_189 = arith.mulf %convert_element_type3A_150, %mul3A_188 : vector<1x10000xf32>
      %add3A_190 = arith.addf %add3A_109, %mul3A_189 : vector<1x10000xf32>
      %slice3A_191 = vector.extract_strided_slice %get3A_45 {offsets = [1, 6], sizes = [1, 1], strides = [1, 1]} : vector<5x13xf32> to vector<1x1xf32>
      %squeeze3A_192 = vector.extract %slice3A_191[0, 0] : f32 from vector<1x1xf32>
      %div3A_193 = arith.divf %squeeze3A_192, %max3A_154 : f32
      %mul3A_194 = vector.broadcast %div3A_193 : f32 to vector<1x10000xf32>
      %mul3A_195 = arith.mulf %convert_element_type3A_150, %mul3A_194 : vector<1x10000xf32>
      %add3A_196 = arith.addf %add3A_115, %mul3A_195 : vector<1x10000xf32>
      %slice3A_197 = vector.extract_strided_slice %get3A_45 {offsets = [1, 7], sizes = [1, 1], strides = [1, 1]} : vector<5x13xf32> to vector<1x1xf32>
      %squeeze3A_198 = vector.extract %slice3A_197[0, 0] : f32 from vector<1x1xf32>
      %div3A_199 = arith.divf %squeeze3A_198, %max3A_154 : f32
      %mul3A_200 = vector.broadcast %div3A_199 : f32 to vector<1x10000xf32>
      %mul3A_201 = arith.mulf %convert_element_type3A_150, %mul3A_200 : vector<1x10000xf32>
      %add3A_202 = arith.addf %add3A_121, %mul3A_201 : vector<1x10000xf32>
      %slice3A_203 = vector.extract_strided_slice %get3A_45 {offsets = [1, 8], sizes = [1, 1], strides = [1, 1]} : vector<5x13xf32> to vector<1x1xf32>
      %squeeze3A_204 = vector.extract %slice3A_203[0, 0] : f32 from vector<1x1xf32>
      %div3A_205 = arith.divf %squeeze3A_204, %max3A_154 : f32
      %mul3A_206 = vector.broadcast %div3A_205 : f32 to vector<1x10000xf32>
      %mul3A_207 = arith.mulf %convert_element_type3A_150, %mul3A_206 : vector<1x10000xf32>
      %add3A_208 = arith.addf %add3A_127, %mul3A_207 : vector<1x10000xf32>
      %slice3A_209 = vector.extract_strided_slice %get3A_45 {offsets = [1, 9], sizes = [1, 1], strides = [1, 1]} : vector<5x13xf32> to vector<1x1xf32>
      %squeeze3A_210 = vector.extract %slice3A_209[0, 0] : f32 from vector<1x1xf32>
      %div3A_211 = arith.divf %squeeze3A_210, %max3A_154 : f32
      %mul3A_212 = vector.broadcast %div3A_211 : f32 to vector<1x10000xf32>
      %mul3A_213 = arith.mulf %convert_element_type3A_150, %mul3A_212 : vector<1x10000xf32>
      %add3A_214 = arith.addf %add3A_133, %mul3A_213 : vector<1x10000xf32>
      %slice3A_215 = vector.extract_strided_slice %get3A_45 {offsets = [1, 10], sizes = [1, 1], strides = [1, 1]} : vector<5x13xf32> to vector<1x1xf32>
      %squeeze3A_216 = vector.extract %slice3A_215[0, 0] : f32 from vector<1x1xf32>
      %div3A_217 = arith.divf %squeeze3A_216, %max3A_154 : f32
      %mul3A_218 = vector.broadcast %div3A_217 : f32 to vector<1x10000xf32>
      %mul3A_219 = arith.mulf %convert_element_type3A_150, %mul3A_218 : vector<1x10000xf32>
      %add3A_220 = arith.addf %add3A_139, %mul3A_219 : vector<1x10000xf32>
      %slice3A_221 = vector.extract_strided_slice %get3A_45 {offsets = [1, 11], sizes = [1, 1], strides = [1, 1]} : vector<5x13xf32> to vector<1x1xf32>
      %squeeze3A_222 = vector.extract %slice3A_221[0, 0] : f32 from vector<1x1xf32>
      %div3A_223 = arith.divf %squeeze3A_222, %max3A_154 : f32
      %mul3A_224 = vector.broadcast %div3A_223 : f32 to vector<1x10000xf32>
      %mul3A_225 = arith.mulf %convert_element_type3A_150, %mul3A_224 : vector<1x10000xf32>
      %add3A_226 = arith.addf %add3A_145, %mul3A_225 : vector<1x10000xf32>
      %eq3A_227 = arith.constant 2 : i32
      %eq3A_228 = vector.broadcast %eq3A_227 : i32 to vector<1x10000xi32>
      %eq3A_229 = arith.cmpi eq, %get3A_42, %eq3A_228 : vector<1x10000xi32>
      %convert_element_type3A_230 = arith.extui %eq3A_229 : vector<1x10000xi1> to vector<1x10000xi32>
      %convert_element_type3A_231 = arith.sitofp %convert_element_type3A_230 : vector<1x10000xi32> to vector<1x10000xf32>
      %slice3A_232 = vector.extract_strided_slice %get3A_45 {offsets = [2, 12], sizes = [1, 1], strides = [1, 1]} : vector<5x13xf32> to vector<1x1xf32>
      %squeeze3A_233 = vector.extract %slice3A_232[0, 0] : f32 from vector<1x1xf32>
      %max3A_234 = arith.constant 1.000000e+00 : f32
      %max3A_235 = arith.maximumf %squeeze3A_233, %max3A_234 : f32
      %slice3A_236 = vector.extract_strided_slice %get3A_45 {offsets = [2, 0], sizes = [1, 1], strides = [1, 1]} : vector<5x13xf32> to vector<1x1xf32>
      %squeeze3A_237 = vector.extract %slice3A_236[0, 0] : f32 from vector<1x1xf32>
      %div3A_238 = arith.divf %squeeze3A_237, %max3A_235 : f32
      %mul3A_239 = vector.broadcast %div3A_238 : f32 to vector<1x10000xf32>
      %mul3A_240 = arith.mulf %convert_element_type3A_231, %mul3A_239 : vector<1x10000xf32>
      %add3A_241 = arith.addf %add3A_160, %mul3A_240 : vector<1x10000xf32>
      %slice3A_242 = vector.extract_strided_slice %get3A_45 {offsets = [2, 1], sizes = [1, 1], strides = [1, 1]} : vector<5x13xf32> to vector<1x1xf32>
      %squeeze3A_243 = vector.extract %slice3A_242[0, 0] : f32 from vector<1x1xf32>
      %div3A_244 = arith.divf %squeeze3A_243, %max3A_235 : f32
      %mul3A_245 = vector.broadcast %div3A_244 : f32 to vector<1x10000xf32>
      %mul3A_246 = arith.mulf %convert_element_type3A_231, %mul3A_245 : vector<1x10000xf32>
      %add3A_247 = arith.addf %add3A_166, %mul3A_246 : vector<1x10000xf32>
      %slice3A_248 = vector.extract_strided_slice %get3A_45 {offsets = [2, 2], sizes = [1, 1], strides = [1, 1]} : vector<5x13xf32> to vector<1x1xf32>
      %squeeze3A_249 = vector.extract %slice3A_248[0, 0] : f32 from vector<1x1xf32>
      %div3A_250 = arith.divf %squeeze3A_249, %max3A_235 : f32
      %mul3A_251 = vector.broadcast %div3A_250 : f32 to vector<1x10000xf32>
      %mul3A_252 = arith.mulf %convert_element_type3A_231, %mul3A_251 : vector<1x10000xf32>
      %add3A_253 = arith.addf %add3A_172, %mul3A_252 : vector<1x10000xf32>
      %slice3A_254 = vector.extract_strided_slice %get3A_45 {offsets = [2, 3], sizes = [1, 1], strides = [1, 1]} : vector<5x13xf32> to vector<1x1xf32>
      %squeeze3A_255 = vector.extract %slice3A_254[0, 0] : f32 from vector<1x1xf32>
      %div3A_256 = arith.divf %squeeze3A_255, %max3A_235 : f32
      %mul3A_257 = vector.broadcast %div3A_256 : f32 to vector<1x10000xf32>
      %mul3A_258 = arith.mulf %convert_element_type3A_231, %mul3A_257 : vector<1x10000xf32>
      %add3A_259 = arith.addf %add3A_178, %mul3A_258 : vector<1x10000xf32>
      %slice3A_260 = vector.extract_strided_slice %get3A_45 {offsets = [2, 4], sizes = [1, 1], strides = [1, 1]} : vector<5x13xf32> to vector<1x1xf32>
      %squeeze3A_261 = vector.extract %slice3A_260[0, 0] : f32 from vector<1x1xf32>
      %div3A_262 = arith.divf %squeeze3A_261, %max3A_235 : f32
      %mul3A_263 = vector.broadcast %div3A_262 : f32 to vector<1x10000xf32>
      %mul3A_264 = arith.mulf %convert_element_type3A_231, %mul3A_263 : vector<1x10000xf32>
      %add3A_265 = arith.addf %add3A_184, %mul3A_264 : vector<1x10000xf32>
      %slice3A_266 = vector.extract_strided_slice %get3A_45 {offsets = [2, 5], sizes = [1, 1], strides = [1, 1]} : vector<5x13xf32> to vector<1x1xf32>
      %squeeze3A_267 = vector.extract %slice3A_266[0, 0] : f32 from vector<1x1xf32>
      %div3A_268 = arith.divf %squeeze3A_267, %max3A_235 : f32
      %mul3A_269 = vector.broadcast %div3A_268 : f32 to vector<1x10000xf32>
      %mul3A_270 = arith.mulf %convert_element_type3A_231, %mul3A_269 : vector<1x10000xf32>
      %add3A_271 = arith.addf %add3A_190, %mul3A_270 : vector<1x10000xf32>
      %slice3A_272 = vector.extract_strided_slice %get3A_45 {offsets = [2, 6], sizes = [1, 1], strides = [1, 1]} : vector<5x13xf32> to vector<1x1xf32>
      %squeeze3A_273 = vector.extract %slice3A_272[0, 0] : f32 from vector<1x1xf32>
      %div3A_274 = arith.divf %squeeze3A_273, %max3A_235 : f32
      %mul3A_275 = vector.broadcast %div3A_274 : f32 to vector<1x10000xf32>
      %mul3A_276 = arith.mulf %convert_element_type3A_231, %mul3A_275 : vector<1x10000xf32>
      %add3A_277 = arith.addf %add3A_196, %mul3A_276 : vector<1x10000xf32>
      %slice3A_278 = vector.extract_strided_slice %get3A_45 {offsets = [2, 7], sizes = [1, 1], strides = [1, 1]} : vector<5x13xf32> to vector<1x1xf32>
      %squeeze3A_279 = vector.extract %slice3A_278[0, 0] : f32 from vector<1x1xf32>
      %div3A_280 = arith.divf %squeeze3A_279, %max3A_235 : f32
      %mul3A_281 = vector.broadcast %div3A_280 : f32 to vector<1x10000xf32>
      %mul3A_282 = arith.mulf %convert_element_type3A_231, %mul3A_281 : vector<1x10000xf32>
      %add3A_283 = arith.addf %add3A_202, %mul3A_282 : vector<1x10000xf32>
      %slice3A_284 = vector.extract_strided_slice %get3A_45 {offsets = [2, 8], sizes = [1, 1], strides = [1, 1]} : vector<5x13xf32> to vector<1x1xf32>
      %squeeze3A_285 = vector.extract %slice3A_284[0, 0] : f32 from vector<1x1xf32>
      %div3A_286 = arith.divf %squeeze3A_285, %max3A_235 : f32
      %mul3A_287 = vector.broadcast %div3A_286 : f32 to vector<1x10000xf32>
      %mul3A_288 = arith.mulf %convert_element_type3A_231, %mul3A_287 : vector<1x10000xf32>
      %add3A_289 = arith.addf %add3A_208, %mul3A_288 : vector<1x10000xf32>
      %slice3A_290 = vector.extract_strided_slice %get3A_45 {offsets = [2, 9], sizes = [1, 1], strides = [1, 1]} : vector<5x13xf32> to vector<1x1xf32>
      %squeeze3A_291 = vector.extract %slice3A_290[0, 0] : f32 from vector<1x1xf32>
      %div3A_292 = arith.divf %squeeze3A_291, %max3A_235 : f32
      %mul3A_293 = vector.broadcast %div3A_292 : f32 to vector<1x10000xf32>
      %mul3A_294 = arith.mulf %convert_element_type3A_231, %mul3A_293 : vector<1x10000xf32>
      %add3A_295 = arith.addf %add3A_214, %mul3A_294 : vector<1x10000xf32>
      %slice3A_296 = vector.extract_strided_slice %get3A_45 {offsets = [2, 10], sizes = [1, 1], strides = [1, 1]} : vector<5x13xf32> to vector<1x1xf32>
      %squeeze3A_297 = vector.extract %slice3A_296[0, 0] : f32 from vector<1x1xf32>
      %div3A_298 = arith.divf %squeeze3A_297, %max3A_235 : f32
      %mul3A_299 = vector.broadcast %div3A_298 : f32 to vector<1x10000xf32>
      %mul3A_300 = arith.mulf %convert_element_type3A_231, %mul3A_299 : vector<1x10000xf32>
      %add3A_301 = arith.addf %add3A_220, %mul3A_300 : vector<1x10000xf32>
      %slice3A_302 = vector.extract_strided_slice %get3A_45 {offsets = [2, 11], sizes = [1, 1], strides = [1, 1]} : vector<5x13xf32> to vector<1x1xf32>
      %squeeze3A_303 = vector.extract %slice3A_302[0, 0] : f32 from vector<1x1xf32>
      %div3A_304 = arith.divf %squeeze3A_303, %max3A_235 : f32
      %mul3A_305 = vector.broadcast %div3A_304 : f32 to vector<1x10000xf32>
      %mul3A_306 = arith.mulf %convert_element_type3A_231, %mul3A_305 : vector<1x10000xf32>
      %add3A_307 = arith.addf %add3A_226, %mul3A_306 : vector<1x10000xf32>
      %eq3A_308 = arith.constant 3 : i32
      %eq3A_309 = vector.broadcast %eq3A_308 : i32 to vector<1x10000xi32>
      %eq3A_310 = arith.cmpi eq, %get3A_42, %eq3A_309 : vector<1x10000xi32>
      %convert_element_type3A_311 = arith.extui %eq3A_310 : vector<1x10000xi1> to vector<1x10000xi32>
      %convert_element_type3A_312 = arith.sitofp %convert_element_type3A_311 : vector<1x10000xi32> to vector<1x10000xf32>
      %slice3A_313 = vector.extract_strided_slice %get3A_45 {offsets = [3, 12], sizes = [1, 1], strides = [1, 1]} : vector<5x13xf32> to vector<1x1xf32>
      %squeeze3A_314 = vector.extract %slice3A_313[0, 0] : f32 from vector<1x1xf32>
      %max3A_315 = arith.constant 1.000000e+00 : f32
      %max3A_316 = arith.maximumf %squeeze3A_314, %max3A_315 : f32
      %slice3A_317 = vector.extract_strided_slice %get3A_45 {offsets = [3, 0], sizes = [1, 1], strides = [1, 1]} : vector<5x13xf32> to vector<1x1xf32>
      %squeeze3A_318 = vector.extract %slice3A_317[0, 0] : f32 from vector<1x1xf32>
      %div3A_319 = arith.divf %squeeze3A_318, %max3A_316 : f32
      %mul3A_320 = vector.broadcast %div3A_319 : f32 to vector<1x10000xf32>
      %mul3A_321 = arith.mulf %convert_element_type3A_312, %mul3A_320 : vector<1x10000xf32>
      %add3A_322 = arith.addf %add3A_241, %mul3A_321 : vector<1x10000xf32>
      %slice3A_323 = vector.extract_strided_slice %get3A_45 {offsets = [3, 1], sizes = [1, 1], strides = [1, 1]} : vector<5x13xf32> to vector<1x1xf32>
      %squeeze3A_324 = vector.extract %slice3A_323[0, 0] : f32 from vector<1x1xf32>
      %div3A_325 = arith.divf %squeeze3A_324, %max3A_316 : f32
      %mul3A_326 = vector.broadcast %div3A_325 : f32 to vector<1x10000xf32>
      %mul3A_327 = arith.mulf %convert_element_type3A_312, %mul3A_326 : vector<1x10000xf32>
      %add3A_328 = arith.addf %add3A_247, %mul3A_327 : vector<1x10000xf32>
      %slice3A_329 = vector.extract_strided_slice %get3A_45 {offsets = [3, 2], sizes = [1, 1], strides = [1, 1]} : vector<5x13xf32> to vector<1x1xf32>
      %squeeze3A_330 = vector.extract %slice3A_329[0, 0] : f32 from vector<1x1xf32>
      %div3A_331 = arith.divf %squeeze3A_330, %max3A_316 : f32
      %mul3A_332 = vector.broadcast %div3A_331 : f32 to vector<1x10000xf32>
      %mul3A_333 = arith.mulf %convert_element_type3A_312, %mul3A_332 : vector<1x10000xf32>
      %add3A_334 = arith.addf %add3A_253, %mul3A_333 : vector<1x10000xf32>
      %slice3A_335 = vector.extract_strided_slice %get3A_45 {offsets = [3, 3], sizes = [1, 1], strides = [1, 1]} : vector<5x13xf32> to vector<1x1xf32>
      %squeeze3A_336 = vector.extract %slice3A_335[0, 0] : f32 from vector<1x1xf32>
      %div3A_337 = arith.divf %squeeze3A_336, %max3A_316 : f32
      %mul3A_338 = vector.broadcast %div3A_337 : f32 to vector<1x10000xf32>
      %mul3A_339 = arith.mulf %convert_element_type3A_312, %mul3A_338 : vector<1x10000xf32>
      %add3A_340 = arith.addf %add3A_259, %mul3A_339 : vector<1x10000xf32>
      %slice3A_341 = vector.extract_strided_slice %get3A_45 {offsets = [3, 4], sizes = [1, 1], strides = [1, 1]} : vector<5x13xf32> to vector<1x1xf32>
      %squeeze3A_342 = vector.extract %slice3A_341[0, 0] : f32 from vector<1x1xf32>
      %div3A_343 = arith.divf %squeeze3A_342, %max3A_316 : f32
      %mul3A_344 = vector.broadcast %div3A_343 : f32 to vector<1x10000xf32>
      %mul3A_345 = arith.mulf %convert_element_type3A_312, %mul3A_344 : vector<1x10000xf32>
      %add3A_346 = arith.addf %add3A_265, %mul3A_345 : vector<1x10000xf32>
      %slice3A_347 = vector.extract_strided_slice %get3A_45 {offsets = [3, 5], sizes = [1, 1], strides = [1, 1]} : vector<5x13xf32> to vector<1x1xf32>
      %squeeze3A_348 = vector.extract %slice3A_347[0, 0] : f32 from vector<1x1xf32>
      %div3A_349 = arith.divf %squeeze3A_348, %max3A_316 : f32
      %mul3A_350 = vector.broadcast %div3A_349 : f32 to vector<1x10000xf32>
      %mul3A_351 = arith.mulf %convert_element_type3A_312, %mul3A_350 : vector<1x10000xf32>
      %add3A_352 = arith.addf %add3A_271, %mul3A_351 : vector<1x10000xf32>
      %slice3A_353 = vector.extract_strided_slice %get3A_45 {offsets = [3, 6], sizes = [1, 1], strides = [1, 1]} : vector<5x13xf32> to vector<1x1xf32>
      %squeeze3A_354 = vector.extract %slice3A_353[0, 0] : f32 from vector<1x1xf32>
      %div3A_355 = arith.divf %squeeze3A_354, %max3A_316 : f32
      %mul3A_356 = vector.broadcast %div3A_355 : f32 to vector<1x10000xf32>
      %mul3A_357 = arith.mulf %convert_element_type3A_312, %mul3A_356 : vector<1x10000xf32>
      %add3A_358 = arith.addf %add3A_277, %mul3A_357 : vector<1x10000xf32>
      %slice3A_359 = vector.extract_strided_slice %get3A_45 {offsets = [3, 7], sizes = [1, 1], strides = [1, 1]} : vector<5x13xf32> to vector<1x1xf32>
      %squeeze3A_360 = vector.extract %slice3A_359[0, 0] : f32 from vector<1x1xf32>
      %div3A_361 = arith.divf %squeeze3A_360, %max3A_316 : f32
      %mul3A_362 = vector.broadcast %div3A_361 : f32 to vector<1x10000xf32>
      %mul3A_363 = arith.mulf %convert_element_type3A_312, %mul3A_362 : vector<1x10000xf32>
      %add3A_364 = arith.addf %add3A_283, %mul3A_363 : vector<1x10000xf32>
      %slice3A_365 = vector.extract_strided_slice %get3A_45 {offsets = [3, 8], sizes = [1, 1], strides = [1, 1]} : vector<5x13xf32> to vector<1x1xf32>
      %squeeze3A_366 = vector.extract %slice3A_365[0, 0] : f32 from vector<1x1xf32>
      %div3A_367 = arith.divf %squeeze3A_366, %max3A_316 : f32
      %mul3A_368 = vector.broadcast %div3A_367 : f32 to vector<1x10000xf32>
      %mul3A_369 = arith.mulf %convert_element_type3A_312, %mul3A_368 : vector<1x10000xf32>
      %add3A_370 = arith.addf %add3A_289, %mul3A_369 : vector<1x10000xf32>
      %slice3A_371 = vector.extract_strided_slice %get3A_45 {offsets = [3, 9], sizes = [1, 1], strides = [1, 1]} : vector<5x13xf32> to vector<1x1xf32>
      %squeeze3A_372 = vector.extract %slice3A_371[0, 0] : f32 from vector<1x1xf32>
      %div3A_373 = arith.divf %squeeze3A_372, %max3A_316 : f32
      %mul3A_374 = vector.broadcast %div3A_373 : f32 to vector<1x10000xf32>
      %mul3A_375 = arith.mulf %convert_element_type3A_312, %mul3A_374 : vector<1x10000xf32>
      %add3A_376 = arith.addf %add3A_295, %mul3A_375 : vector<1x10000xf32>
      %slice3A_377 = vector.extract_strided_slice %get3A_45 {offsets = [3, 10], sizes = [1, 1], strides = [1, 1]} : vector<5x13xf32> to vector<1x1xf32>
      %squeeze3A_378 = vector.extract %slice3A_377[0, 0] : f32 from vector<1x1xf32>
      %div3A_379 = arith.divf %squeeze3A_378, %max3A_316 : f32
      %mul3A_380 = vector.broadcast %div3A_379 : f32 to vector<1x10000xf32>
      %mul3A_381 = arith.mulf %convert_element_type3A_312, %mul3A_380 : vector<1x10000xf32>
      %add3A_382 = arith.addf %add3A_301, %mul3A_381 : vector<1x10000xf32>
      %slice3A_383 = vector.extract_strided_slice %get3A_45 {offsets = [3, 11], sizes = [1, 1], strides = [1, 1]} : vector<5x13xf32> to vector<1x1xf32>
      %squeeze3A_384 = vector.extract %slice3A_383[0, 0] : f32 from vector<1x1xf32>
      %div3A_385 = arith.divf %squeeze3A_384, %max3A_316 : f32
      %mul3A_386 = vector.broadcast %div3A_385 : f32 to vector<1x10000xf32>
      %mul3A_387 = arith.mulf %convert_element_type3A_312, %mul3A_386 : vector<1x10000xf32>
      %add3A_388 = arith.addf %add3A_307, %mul3A_387 : vector<1x10000xf32>
      %eq3A_389 = arith.constant 4 : i32
      %eq3A_390 = vector.broadcast %eq3A_389 : i32 to vector<1x10000xi32>
      %eq3A_391 = arith.cmpi eq, %get3A_42, %eq3A_390 : vector<1x10000xi32>
      %convert_element_type3A_392 = arith.extui %eq3A_391 : vector<1x10000xi1> to vector<1x10000xi32>
      %convert_element_type3A_393 = arith.sitofp %convert_element_type3A_392 : vector<1x10000xi32> to vector<1x10000xf32>
      %slice3A_394 = vector.extract_strided_slice %get3A_45 {offsets = [4, 12], sizes = [1, 1], strides = [1, 1]} : vector<5x13xf32> to vector<1x1xf32>
      %squeeze3A_395 = vector.extract %slice3A_394[0, 0] : f32 from vector<1x1xf32>
      %max3A_396 = arith.constant 1.000000e+00 : f32
      %max3A_397 = arith.maximumf %squeeze3A_395, %max3A_396 : f32
      %slice3A_398 = vector.extract_strided_slice %get3A_45 {offsets = [4, 0], sizes = [1, 1], strides = [1, 1]} : vector<5x13xf32> to vector<1x1xf32>
      %squeeze3A_399 = vector.extract %slice3A_398[0, 0] : f32 from vector<1x1xf32>
      %div3A_400 = arith.divf %squeeze3A_399, %max3A_397 : f32
      %mul3A_401 = vector.broadcast %div3A_400 : f32 to vector<1x10000xf32>
      %mul3A_402 = arith.mulf %convert_element_type3A_393, %mul3A_401 : vector<1x10000xf32>
      %add3A_403 = arith.addf %add3A_322, %mul3A_402 : vector<1x10000xf32>
      %slice3A_404 = vector.extract_strided_slice %get3A_45 {offsets = [4, 1], sizes = [1, 1], strides = [1, 1]} : vector<5x13xf32> to vector<1x1xf32>
      %squeeze3A_405 = vector.extract %slice3A_404[0, 0] : f32 from vector<1x1xf32>
      %div3A_406 = arith.divf %squeeze3A_405, %max3A_397 : f32
      %mul3A_407 = vector.broadcast %div3A_406 : f32 to vector<1x10000xf32>
      %mul3A_408 = arith.mulf %convert_element_type3A_393, %mul3A_407 : vector<1x10000xf32>
      %add3A_409 = arith.addf %add3A_328, %mul3A_408 : vector<1x10000xf32>
      %slice3A_410 = vector.extract_strided_slice %get3A_45 {offsets = [4, 2], sizes = [1, 1], strides = [1, 1]} : vector<5x13xf32> to vector<1x1xf32>
      %squeeze3A_411 = vector.extract %slice3A_410[0, 0] : f32 from vector<1x1xf32>
      %div3A_412 = arith.divf %squeeze3A_411, %max3A_397 : f32
      %mul3A_413 = vector.broadcast %div3A_412 : f32 to vector<1x10000xf32>
      %mul3A_414 = arith.mulf %convert_element_type3A_393, %mul3A_413 : vector<1x10000xf32>
      %add3A_415 = arith.addf %add3A_334, %mul3A_414 : vector<1x10000xf32>
      %slice3A_416 = vector.extract_strided_slice %get3A_45 {offsets = [4, 3], sizes = [1, 1], strides = [1, 1]} : vector<5x13xf32> to vector<1x1xf32>
      %squeeze3A_417 = vector.extract %slice3A_416[0, 0] : f32 from vector<1x1xf32>
      %div3A_418 = arith.divf %squeeze3A_417, %max3A_397 : f32
      %mul3A_419 = vector.broadcast %div3A_418 : f32 to vector<1x10000xf32>
      %mul3A_420 = arith.mulf %convert_element_type3A_393, %mul3A_419 : vector<1x10000xf32>
      %add3A_421 = arith.addf %add3A_340, %mul3A_420 : vector<1x10000xf32>
      %slice3A_422 = vector.extract_strided_slice %get3A_45 {offsets = [4, 4], sizes = [1, 1], strides = [1, 1]} : vector<5x13xf32> to vector<1x1xf32>
      %squeeze3A_423 = vector.extract %slice3A_422[0, 0] : f32 from vector<1x1xf32>
      %div3A_424 = arith.divf %squeeze3A_423, %max3A_397 : f32
      %mul3A_425 = vector.broadcast %div3A_424 : f32 to vector<1x10000xf32>
      %mul3A_426 = arith.mulf %convert_element_type3A_393, %mul3A_425 : vector<1x10000xf32>
      %add3A_427 = arith.addf %add3A_346, %mul3A_426 : vector<1x10000xf32>
      %slice3A_428 = vector.extract_strided_slice %get3A_45 {offsets = [4, 5], sizes = [1, 1], strides = [1, 1]} : vector<5x13xf32> to vector<1x1xf32>
      %squeeze3A_429 = vector.extract %slice3A_428[0, 0] : f32 from vector<1x1xf32>
      %div3A_430 = arith.divf %squeeze3A_429, %max3A_397 : f32
      %mul3A_431 = vector.broadcast %div3A_430 : f32 to vector<1x10000xf32>
      %mul3A_432 = arith.mulf %convert_element_type3A_393, %mul3A_431 : vector<1x10000xf32>
      %add3A_433 = arith.addf %add3A_352, %mul3A_432 : vector<1x10000xf32>
      %slice3A_434 = vector.extract_strided_slice %get3A_45 {offsets = [4, 6], sizes = [1, 1], strides = [1, 1]} : vector<5x13xf32> to vector<1x1xf32>
      %squeeze3A_435 = vector.extract %slice3A_434[0, 0] : f32 from vector<1x1xf32>
      %div3A_436 = arith.divf %squeeze3A_435, %max3A_397 : f32
      %mul3A_437 = vector.broadcast %div3A_436 : f32 to vector<1x10000xf32>
      %mul3A_438 = arith.mulf %convert_element_type3A_393, %mul3A_437 : vector<1x10000xf32>
      %add3A_439 = arith.addf %add3A_358, %mul3A_438 : vector<1x10000xf32>
      %slice3A_440 = vector.extract_strided_slice %get3A_45 {offsets = [4, 7], sizes = [1, 1], strides = [1, 1]} : vector<5x13xf32> to vector<1x1xf32>
      %squeeze3A_441 = vector.extract %slice3A_440[0, 0] : f32 from vector<1x1xf32>
      %div3A_442 = arith.divf %squeeze3A_441, %max3A_397 : f32
      %mul3A_443 = vector.broadcast %div3A_442 : f32 to vector<1x10000xf32>
      %mul3A_444 = arith.mulf %convert_element_type3A_393, %mul3A_443 : vector<1x10000xf32>
      %add3A_445 = arith.addf %add3A_364, %mul3A_444 : vector<1x10000xf32>
      %slice3A_446 = vector.extract_strided_slice %get3A_45 {offsets = [4, 8], sizes = [1, 1], strides = [1, 1]} : vector<5x13xf32> to vector<1x1xf32>
      %squeeze3A_447 = vector.extract %slice3A_446[0, 0] : f32 from vector<1x1xf32>
      %div3A_448 = arith.divf %squeeze3A_447, %max3A_397 : f32
      %mul3A_449 = vector.broadcast %div3A_448 : f32 to vector<1x10000xf32>
      %mul3A_450 = arith.mulf %convert_element_type3A_393, %mul3A_449 : vector<1x10000xf32>
      %add3A_451 = arith.addf %add3A_370, %mul3A_450 : vector<1x10000xf32>
      %slice3A_452 = vector.extract_strided_slice %get3A_45 {offsets = [4, 9], sizes = [1, 1], strides = [1, 1]} : vector<5x13xf32> to vector<1x1xf32>
      %squeeze3A_453 = vector.extract %slice3A_452[0, 0] : f32 from vector<1x1xf32>
      %div3A_454 = arith.divf %squeeze3A_453, %max3A_397 : f32
      %mul3A_455 = vector.broadcast %div3A_454 : f32 to vector<1x10000xf32>
      %mul3A_456 = arith.mulf %convert_element_type3A_393, %mul3A_455 : vector<1x10000xf32>
      %add3A_457 = arith.addf %add3A_376, %mul3A_456 : vector<1x10000xf32>
      %slice3A_458 = vector.extract_strided_slice %get3A_45 {offsets = [4, 10], sizes = [1, 1], strides = [1, 1]} : vector<5x13xf32> to vector<1x1xf32>
      %squeeze3A_459 = vector.extract %slice3A_458[0, 0] : f32 from vector<1x1xf32>
      %div3A_460 = arith.divf %squeeze3A_459, %max3A_397 : f32
      %mul3A_461 = vector.broadcast %div3A_460 : f32 to vector<1x10000xf32>
      %mul3A_462 = arith.mulf %convert_element_type3A_393, %mul3A_461 : vector<1x10000xf32>
      %add3A_463 = arith.addf %add3A_382, %mul3A_462 : vector<1x10000xf32>
      %slice3A_464 = vector.extract_strided_slice %get3A_45 {offsets = [4, 11], sizes = [1, 1], strides = [1, 1]} : vector<5x13xf32> to vector<1x1xf32>
      %squeeze3A_465 = vector.extract %slice3A_464[0, 0] : f32 from vector<1x1xf32>
      %div3A_466 = arith.divf %squeeze3A_465, %max3A_397 : f32
      %mul3A_467 = vector.broadcast %div3A_466 : f32 to vector<1x10000xf32>
      %mul3A_468 = arith.mulf %convert_element_type3A_393, %mul3A_467 : vector<1x10000xf32>
      %add3A_469 = arith.addf %add3A_388, %mul3A_468 : vector<1x10000xf32>
      %get3A_470 = arith.constant 0 : index
      %get3A_471 = arith.constant 0 : index
      %get3A_472 = vector.load %arg8[%get3A_470, %get3A_471] : memref<1x10000xf32, #tpu.memory_space<vmem>>, vector<1x10000xf32>
      %get3A_473 = arith.constant 0 : index
      %get3A_474 = arith.constant 0 : index
      %get3A_475 = vector.load %arg7[%get3A_473, %get3A_474] : memref<1x10000xf32, #tpu.memory_space<vmem>>, vector<1x10000xf32>
      %get3A_476 = arith.constant 0 : index
      %get3A_477 = arith.constant 0 : index
      %get3A_478 = vector.load %arg3[%get3A_476, %get3A_477] : memref<12x10000xf32, #tpu.memory_space<vmem>>, vector<1x10000xf32>
      %get3A_479 = arith.constant 4 : index
      %get3A_480 = arith.constant 0 : index
      %get3A_481 = vector.load %arg3[%get3A_479, %get3A_480] : memref<12x10000xf32, #tpu.memory_space<vmem>>, vector<1x10000xf32>
      %get3A_482 = arith.constant 8 : index
      %get3A_483 = arith.constant 0 : index
      %get3A_484 = vector.load %arg3[%get3A_482, %get3A_483] : memref<12x10000xf32, #tpu.memory_space<vmem>>, vector<1x10000xf32>
      %get3A_485 = arith.constant 0 : index
      %get3A_486 = arith.constant 0 : index
      %get3A_487 = vector.load %arg4[%get3A_485, %get3A_486] : memref<12x10000xf32, #tpu.memory_space<vmem>>, vector<1x10000xf32>
      %get3A_488 = arith.constant 4 : index
      %get3A_489 = arith.constant 0 : index
      %get3A_490 = vector.load %arg4[%get3A_488, %get3A_489] : memref<12x10000xf32, #tpu.memory_space<vmem>>, vector<1x10000xf32>
      %get3A_491 = arith.constant 8 : index
      %get3A_492 = arith.constant 0 : index
      %get3A_493 = vector.load %arg4[%get3A_491, %get3A_492] : memref<12x10000xf32, #tpu.memory_space<vmem>>, vector<1x10000xf32>
      %mul3A_494 = arith.constant 5.000000e-01 : f32
      %mul3A_495 = vector.broadcast %mul3A_494 : f32 to vector<1x10000xf32>
      %mul3A_496 = arith.mulf %mul3A_495, %get3A_478 : vector<1x10000xf32>
      %mul3A_497 = arith.constant 3.000000e-01 : f32
      %mul3A_498 = vector.broadcast %mul3A_497 : f32 to vector<1x10000xf32>
      %mul3A_499 = arith.mulf %mul3A_498, %get3A_487 : vector<1x10000xf32>
      %add3A_500 = arith.addf %mul3A_496, %mul3A_499 : vector<1x10000xf32>
      %mul3A_501 = arith.constant 2.000000e-01 : f32
      %mul3A_502 = vector.broadcast %mul3A_501 : f32 to vector<1x10000xf32>
      %mul3A_503 = arith.mulf %mul3A_502, %add3A_403 : vector<1x10000xf32>
      %add3A_504 = arith.addf %add3A_500, %mul3A_503 : vector<1x10000xf32>
      %atan23A = math.atan2 %get3A_484, %get3A_481 : vector<1x10000xf32>
      %mul3A_505 = arith.constant 5.000000e-01 : f32
      %mul3A_506 = vector.broadcast %mul3A_505 : f32 to vector<1x10000xf32>
      %mul3A_507 = arith.mulf %mul3A_506, %atan23A : vector<1x10000xf32>
      %atan23A_508 = math.atan2 %get3A_493, %get3A_490 : vector<1x10000xf32>
      %mul3A_509 = arith.constant 3.000000e-01 : f32
      %mul3A_510 = vector.broadcast %mul3A_509 : f32 to vector<1x10000xf32>
      %mul3A_511 = arith.mulf %mul3A_510, %atan23A_508 : vector<1x10000xf32>
      %add3A_512 = arith.addf %mul3A_507, %mul3A_511 : vector<1x10000xf32>
      %atan23A_513 = math.atan2 %add3A_451, %add3A_427 : vector<1x10000xf32>
      %mul3A_514 = arith.constant 2.000000e-01 : f32
      %mul3A_515 = vector.broadcast %mul3A_514 : f32 to vector<1x10000xf32>
      %mul3A_516 = arith.mulf %mul3A_515, %atan23A_513 : vector<1x10000xf32>
      %add3A_517 = arith.addf %add3A_512, %mul3A_516 : vector<1x10000xf32>
      %get3A_518 = arith.constant 0 : index
      %get3A_519 = arith.constant 0 : index
      %get3A_520 = vector.load %arg2[%get3A_518, %get3A_519] : memref<16x10000xf32, #tpu.memory_space<vmem>>, vector<1x10000xf32>
      %mul3A_521 = arith.constant 0.699999988 : f32
      %mul3A_522 = vector.broadcast %mul3A_521 : f32 to vector<1x10000xf32>
      %mul3A_523 = arith.mulf %mul3A_522, %get3A_520 : vector<1x10000xf32>
      %mul3A_524 = arith.constant 3.000000e-01 : f32
      %mul3A_525 = vector.broadcast %mul3A_524 : f32 to vector<1x10000xf32>
      %mul3A_526 = arith.mulf %mul3A_525, %add3A_504 : vector<1x10000xf32>
      %add3A_527 = arith.addf %mul3A_523, %mul3A_526 : vector<1x10000xf32>
      %get3A_528 = arith.constant 12 : index
      %get3A_529 = arith.constant 0 : index
      %get3A_530 = vector.load %arg2[%get3A_528, %get3A_529] : memref<16x10000xf32, #tpu.memory_space<vmem>>, vector<1x10000xf32>
      %mul3A_531 = arith.constant 0.699999988 : f32
      %mul3A_532 = vector.broadcast %mul3A_531 : f32 to vector<1x10000xf32>
      %mul3A_533 = arith.mulf %mul3A_532, %get3A_530 : vector<1x10000xf32>
      %mul3A_534 = arith.constant 3.000000e-01 : f32
      %mul3A_535 = vector.broadcast %mul3A_534 : f32 to vector<1x10000xf32>
      %mul3A_536 = arith.mulf %mul3A_535, %add3A_517 : vector<1x10000xf32>
      %add3A_537 = arith.addf %mul3A_533, %mul3A_536 : vector<1x10000xf32>
      %cos3A_538 = math.cos %add3A_537 : vector<1x10000xf32>
      %mul3A_539 = arith.mulf %add3A_527, %cos3A_538 : vector<1x10000xf32>
      %sin3A_540 = math.sin %add3A_537 : vector<1x10000xf32>
      %mul3A_541 = arith.mulf %add3A_527, %sin3A_540 : vector<1x10000xf32>
      %get3A_542 = arith.constant 1 : index
      %get3A_543 = arith.constant 0 : index
      %get3A_544 = vector.load %arg3[%get3A_542, %get3A_543] : memref<12x10000xf32, #tpu.memory_space<vmem>>, vector<1x10000xf32>
      %get3A_545 = arith.constant 5 : index
      %get3A_546 = arith.constant 0 : index
      %get3A_547 = vector.load %arg3[%get3A_545, %get3A_546] : memref<12x10000xf32, #tpu.memory_space<vmem>>, vector<1x10000xf32>
      %get3A_548 = arith.constant 9 : index
      %get3A_549 = arith.constant 0 : index
      %get3A_550 = vector.load %arg3[%get3A_548, %get3A_549] : memref<12x10000xf32, #tpu.memory_space<vmem>>, vector<1x10000xf32>
      %get3A_551 = arith.constant 1 : index
      %get3A_552 = arith.constant 0 : index
      %get3A_553 = vector.load %arg4[%get3A_551, %get3A_552] : memref<12x10000xf32, #tpu.memory_space<vmem>>, vector<1x10000xf32>
      %get3A_554 = arith.constant 5 : index
      %get3A_555 = arith.constant 0 : index
      %get3A_556 = vector.load %arg4[%get3A_554, %get3A_555] : memref<12x10000xf32, #tpu.memory_space<vmem>>, vector<1x10000xf32>
      %get3A_557 = arith.constant 9 : index
      %get3A_558 = arith.constant 0 : index
      %get3A_559 = vector.load %arg4[%get3A_557, %get3A_558] : memref<12x10000xf32, #tpu.memory_space<vmem>>, vector<1x10000xf32>
      %mul3A_560 = arith.constant 5.000000e-01 : f32
      %mul3A_561 = vector.broadcast %mul3A_560 : f32 to vector<1x10000xf32>
      %mul3A_562 = arith.mulf %mul3A_561, %get3A_544 : vector<1x10000xf32>
      %mul3A_563 = arith.constant 3.000000e-01 : f32
      %mul3A_564 = vector.broadcast %mul3A_563 : f32 to vector<1x10000xf32>
      %mul3A_565 = arith.mulf %mul3A_564, %get3A_553 : vector<1x10000xf32>
      %add3A_566 = arith.addf %mul3A_562, %mul3A_565 : vector<1x10000xf32>
      %mul3A_567 = arith.constant 2.000000e-01 : f32
      %mul3A_568 = vector.broadcast %mul3A_567 : f32 to vector<1x10000xf32>
      %mul3A_569 = arith.mulf %mul3A_568, %add3A_409 : vector<1x10000xf32>
      %add3A_570 = arith.addf %add3A_566, %mul3A_569 : vector<1x10000xf32>
      %atan23A_571 = math.atan2 %get3A_550, %get3A_547 : vector<1x10000xf32>
      %mul3A_572 = arith.constant 5.000000e-01 : f32
      %mul3A_573 = vector.broadcast %mul3A_572 : f32 to vector<1x10000xf32>
      %mul3A_574 = arith.mulf %mul3A_573, %atan23A_571 : vector<1x10000xf32>
      %atan23A_575 = math.atan2 %get3A_559, %get3A_556 : vector<1x10000xf32>
      %mul3A_576 = arith.constant 3.000000e-01 : f32
      %mul3A_577 = vector.broadcast %mul3A_576 : f32 to vector<1x10000xf32>
      %mul3A_578 = arith.mulf %mul3A_577, %atan23A_575 : vector<1x10000xf32>
      %add3A_579 = arith.addf %mul3A_574, %mul3A_578 : vector<1x10000xf32>
      %atan23A_580 = math.atan2 %add3A_457, %add3A_433 : vector<1x10000xf32>
      %mul3A_581 = arith.constant 2.000000e-01 : f32
      %mul3A_582 = vector.broadcast %mul3A_581 : f32 to vector<1x10000xf32>
      %mul3A_583 = arith.mulf %mul3A_582, %atan23A_580 : vector<1x10000xf32>
      %add3A_584 = arith.addf %add3A_579, %mul3A_583 : vector<1x10000xf32>
      %get3A_585 = arith.constant 1 : index
      %get3A_586 = arith.constant 0 : index
      %get3A_587 = vector.load %arg2[%get3A_585, %get3A_586] : memref<16x10000xf32, #tpu.memory_space<vmem>>, vector<1x10000xf32>
      %mul3A_588 = arith.constant 0.699999988 : f32
      %mul3A_589 = vector.broadcast %mul3A_588 : f32 to vector<1x10000xf32>
      %mul3A_590 = arith.mulf %mul3A_589, %get3A_587 : vector<1x10000xf32>
      %mul3A_591 = arith.constant 3.000000e-01 : f32
      %mul3A_592 = vector.broadcast %mul3A_591 : f32 to vector<1x10000xf32>
      %mul3A_593 = arith.mulf %mul3A_592, %add3A_570 : vector<1x10000xf32>
      %add3A_594 = arith.addf %mul3A_590, %mul3A_593 : vector<1x10000xf32>
      %get3A_595 = arith.constant 13 : index
      %get3A_596 = arith.constant 0 : index
      %get3A_597 = vector.load %arg2[%get3A_595, %get3A_596] : memref<16x10000xf32, #tpu.memory_space<vmem>>, vector<1x10000xf32>
      %mul3A_598 = arith.constant 0.699999988 : f32
      %mul3A_599 = vector.broadcast %mul3A_598 : f32 to vector<1x10000xf32>
      %mul3A_600 = arith.mulf %mul3A_599, %get3A_597 : vector<1x10000xf32>
      %mul3A_601 = arith.constant 3.000000e-01 : f32
      %mul3A_602 = vector.broadcast %mul3A_601 : f32 to vector<1x10000xf32>
      %mul3A_603 = arith.mulf %mul3A_602, %add3A_584 : vector<1x10000xf32>
      %add3A_604 = arith.addf %mul3A_600, %mul3A_603 : vector<1x10000xf32>
      %cos3A_605 = math.cos %add3A_604 : vector<1x10000xf32>
      %mul3A_606 = arith.mulf %add3A_594, %cos3A_605 : vector<1x10000xf32>
      %sin3A_607 = math.sin %add3A_604 : vector<1x10000xf32>
      %mul3A_608 = arith.mulf %add3A_594, %sin3A_607 : vector<1x10000xf32>
      %get3A_609 = arith.constant 2 : index
      %get3A_610 = arith.constant 0 : index
      %get3A_611 = vector.load %arg3[%get3A_609, %get3A_610] : memref<12x10000xf32, #tpu.memory_space<vmem>>, vector<1x10000xf32>
      %get3A_612 = arith.constant 6 : index
      %get3A_613 = arith.constant 0 : index
      %get3A_614 = vector.load %arg3[%get3A_612, %get3A_613] : memref<12x10000xf32, #tpu.memory_space<vmem>>, vector<1x10000xf32>
      %get3A_615 = arith.constant 10 : index
      %get3A_616 = arith.constant 0 : index
      %get3A_617 = vector.load %arg3[%get3A_615, %get3A_616] : memref<12x10000xf32, #tpu.memory_space<vmem>>, vector<1x10000xf32>
      %get3A_618 = arith.constant 2 : index
      %get3A_619 = arith.constant 0 : index
      %get3A_620 = vector.load %arg4[%get3A_618, %get3A_619] : memref<12x10000xf32, #tpu.memory_space<vmem>>, vector<1x10000xf32>
      %get3A_621 = arith.constant 6 : index
      %get3A_622 = arith.constant 0 : index
      %get3A_623 = vector.load %arg4[%get3A_621, %get3A_622] : memref<12x10000xf32, #tpu.memory_space<vmem>>, vector<1x10000xf32>
      %get3A_624 = arith.constant 10 : index
      %get3A_625 = arith.constant 0 : index
      %get3A_626 = vector.load %arg4[%get3A_624, %get3A_625] : memref<12x10000xf32, #tpu.memory_space<vmem>>, vector<1x10000xf32>
      %mul3A_627 = arith.constant 5.000000e-01 : f32
      %mul3A_628 = vector.broadcast %mul3A_627 : f32 to vector<1x10000xf32>
      %mul3A_629 = arith.mulf %mul3A_628, %get3A_611 : vector<1x10000xf32>
      %mul3A_630 = arith.constant 3.000000e-01 : f32
      %mul3A_631 = vector.broadcast %mul3A_630 : f32 to vector<1x10000xf32>
      %mul3A_632 = arith.mulf %mul3A_631, %get3A_620 : vector<1x10000xf32>
      %add3A_633 = arith.addf %mul3A_629, %mul3A_632 : vector<1x10000xf32>
      %mul3A_634 = arith.constant 2.000000e-01 : f32
      %mul3A_635 = vector.broadcast %mul3A_634 : f32 to vector<1x10000xf32>
      %mul3A_636 = arith.mulf %mul3A_635, %add3A_415 : vector<1x10000xf32>
      %add3A_637 = arith.addf %add3A_633, %mul3A_636 : vector<1x10000xf32>
      %atan23A_638 = math.atan2 %get3A_617, %get3A_614 : vector<1x10000xf32>
      %mul3A_639 = arith.constant 5.000000e-01 : f32
      %mul3A_640 = vector.broadcast %mul3A_639 : f32 to vector<1x10000xf32>
      %mul3A_641 = arith.mulf %mul3A_640, %atan23A_638 : vector<1x10000xf32>
      %atan23A_642 = math.atan2 %get3A_626, %get3A_623 : vector<1x10000xf32>
      %mul3A_643 = arith.constant 3.000000e-01 : f32
      %mul3A_644 = vector.broadcast %mul3A_643 : f32 to vector<1x10000xf32>
      %mul3A_645 = arith.mulf %mul3A_644, %atan23A_642 : vector<1x10000xf32>
      %add3A_646 = arith.addf %mul3A_641, %mul3A_645 : vector<1x10000xf32>
      %atan23A_647 = math.atan2 %add3A_463, %add3A_439 : vector<1x10000xf32>
      %mul3A_648 = arith.constant 2.000000e-01 : f32
      %mul3A_649 = vector.broadcast %mul3A_648 : f32 to vector<1x10000xf32>
      %mul3A_650 = arith.mulf %mul3A_649, %atan23A_647 : vector<1x10000xf32>
      %add3A_651 = arith.addf %add3A_646, %mul3A_650 : vector<1x10000xf32>
      %get3A_652 = arith.constant 2 : index
      %get3A_653 = arith.constant 0 : index
      %get3A_654 = vector.load %arg2[%get3A_652, %get3A_653] : memref<16x10000xf32, #tpu.memory_space<vmem>>, vector<1x10000xf32>
      %mul3A_655 = arith.constant 0.699999988 : f32
      %mul3A_656 = vector.broadcast %mul3A_655 : f32 to vector<1x10000xf32>
      %mul3A_657 = arith.mulf %mul3A_656, %get3A_654 : vector<1x10000xf32>
      %mul3A_658 = arith.constant 3.000000e-01 : f32
      %mul3A_659 = vector.broadcast %mul3A_658 : f32 to vector<1x10000xf32>
      %mul3A_660 = arith.mulf %mul3A_659, %add3A_637 : vector<1x10000xf32>
      %add3A_661 = arith.addf %mul3A_657, %mul3A_660 : vector<1x10000xf32>
      %get3A_662 = arith.constant 14 : index
      %get3A_663 = arith.constant 0 : index
      %get3A_664 = vector.load %arg2[%get3A_662, %get3A_663] : memref<16x10000xf32, #tpu.memory_space<vmem>>, vector<1x10000xf32>
      %mul3A_665 = arith.constant 0.699999988 : f32
      %mul3A_666 = vector.broadcast %mul3A_665 : f32 to vector<1x10000xf32>
      %mul3A_667 = arith.mulf %mul3A_666, %get3A_664 : vector<1x10000xf32>
      %mul3A_668 = arith.constant 3.000000e-01 : f32
      %mul3A_669 = vector.broadcast %mul3A_668 : f32 to vector<1x10000xf32>
      %mul3A_670 = arith.mulf %mul3A_669, %add3A_651 : vector<1x10000xf32>
      %add3A_671 = arith.addf %mul3A_667, %mul3A_670 : vector<1x10000xf32>
      %cos3A_672 = math.cos %add3A_671 : vector<1x10000xf32>
      %mul3A_673 = arith.mulf %add3A_661, %cos3A_672 : vector<1x10000xf32>
      %sin3A_674 = math.sin %add3A_671 : vector<1x10000xf32>
      %mul3A_675 = arith.mulf %add3A_661, %sin3A_674 : vector<1x10000xf32>
      %get3A_676 = arith.constant 3 : index
      %get3A_677 = arith.constant 0 : index
      %get3A_678 = vector.load %arg3[%get3A_676, %get3A_677] : memref<12x10000xf32, #tpu.memory_space<vmem>>, vector<1x10000xf32>
      %get3A_679 = arith.constant 7 : index
      %get3A_680 = arith.constant 0 : index
      %get3A_681 = vector.load %arg3[%get3A_679, %get3A_680] : memref<12x10000xf32, #tpu.memory_space<vmem>>, vector<1x10000xf32>
      %get3A_682 = arith.constant 11 : index
      %get3A_683 = arith.constant 0 : index
      %get3A_684 = vector.load %arg3[%get3A_682, %get3A_683] : memref<12x10000xf32, #tpu.memory_space<vmem>>, vector<1x10000xf32>
      %get3A_685 = arith.constant 3 : index
      %get3A_686 = arith.constant 0 : index
      %get3A_687 = vector.load %arg4[%get3A_685, %get3A_686] : memref<12x10000xf32, #tpu.memory_space<vmem>>, vector<1x10000xf32>
      %get3A_688 = arith.constant 7 : index
      %get3A_689 = arith.constant 0 : index
      %get3A_690 = vector.load %arg4[%get3A_688, %get3A_689] : memref<12x10000xf32, #tpu.memory_space<vmem>>, vector<1x10000xf32>
      %get3A_691 = arith.constant 11 : index
      %get3A_692 = arith.constant 0 : index
      %get3A_693 = vector.load %arg4[%get3A_691, %get3A_692] : memref<12x10000xf32, #tpu.memory_space<vmem>>, vector<1x10000xf32>
      %mul3A_694 = arith.constant 5.000000e-01 : f32
      %mul3A_695 = vector.broadcast %mul3A_694 : f32 to vector<1x10000xf32>
      %mul3A_696 = arith.mulf %mul3A_695, %get3A_678 : vector<1x10000xf32>
      %mul3A_697 = arith.constant 3.000000e-01 : f32
      %mul3A_698 = vector.broadcast %mul3A_697 : f32 to vector<1x10000xf32>
      %mul3A_699 = arith.mulf %mul3A_698, %get3A_687 : vector<1x10000xf32>
      %add3A_700 = arith.addf %mul3A_696, %mul3A_699 : vector<1x10000xf32>
      %mul3A_701 = arith.constant 2.000000e-01 : f32
      %mul3A_702 = vector.broadcast %mul3A_701 : f32 to vector<1x10000xf32>
      %mul3A_703 = arith.mulf %mul3A_702, %add3A_421 : vector<1x10000xf32>
      %add3A_704 = arith.addf %add3A_700, %mul3A_703 : vector<1x10000xf32>
      %atan23A_705 = math.atan2 %get3A_684, %get3A_681 : vector<1x10000xf32>
      %mul3A_706 = arith.constant 5.000000e-01 : f32
      %mul3A_707 = vector.broadcast %mul3A_706 : f32 to vector<1x10000xf32>
      %mul3A_708 = arith.mulf %mul3A_707, %atan23A_705 : vector<1x10000xf32>
      %atan23A_709 = math.atan2 %get3A_693, %get3A_690 : vector<1x10000xf32>
      %mul3A_710 = arith.constant 3.000000e-01 : f32
      %mul3A_711 = vector.broadcast %mul3A_710 : f32 to vector<1x10000xf32>
      %mul3A_712 = arith.mulf %mul3A_711, %atan23A_709 : vector<1x10000xf32>
      %add3A_713 = arith.addf %mul3A_708, %mul3A_712 : vector<1x10000xf32>
      %atan23A_714 = math.atan2 %add3A_469, %add3A_445 : vector<1x10000xf32>
      %mul3A_715 = arith.constant 2.000000e-01 : f32
      %mul3A_716 = vector.broadcast %mul3A_715 : f32 to vector<1x10000xf32>
      %mul3A_717 = arith.mulf %mul3A_716, %atan23A_714 : vector<1x10000xf32>
      %add3A_718 = arith.addf %add3A_713, %mul3A_717 : vector<1x10000xf32>
      %get3A_719 = arith.constant 3 : index
      %get3A_720 = arith.constant 0 : index
      %get3A_721 = vector.load %arg2[%get3A_719, %get3A_720] : memref<16x10000xf32, #tpu.memory_space<vmem>>, vector<1x10000xf32>
      %mul3A_722 = arith.constant 0.699999988 : f32
      %mul3A_723 = vector.broadcast %mul3A_722 : f32 to vector<1x10000xf32>
      %mul3A_724 = arith.mulf %mul3A_723, %get3A_721 : vector<1x10000xf32>
      %mul3A_725 = arith.constant 3.000000e-01 : f32
      %mul3A_726 = vector.broadcast %mul3A_725 : f32 to vector<1x10000xf32>
      %mul3A_727 = arith.mulf %mul3A_726, %add3A_704 : vector<1x10000xf32>
      %add3A_728 = arith.addf %mul3A_724, %mul3A_727 : vector<1x10000xf32>
      %get3A_729 = arith.constant 15 : index
      %get3A_730 = arith.constant 0 : index
      %get3A_731 = vector.load %arg2[%get3A_729, %get3A_730] : memref<16x10000xf32, #tpu.memory_space<vmem>>, vector<1x10000xf32>
      %mul3A_732 = arith.constant 0.699999988 : f32
      %mul3A_733 = vector.broadcast %mul3A_732 : f32 to vector<1x10000xf32>
      %mul3A_734 = arith.mulf %mul3A_733, %get3A_731 : vector<1x10000xf32>
      %mul3A_735 = arith.constant 3.000000e-01 : f32
      %mul3A_736 = vector.broadcast %mul3A_735 : f32 to vector<1x10000xf32>
      %mul3A_737 = arith.mulf %mul3A_736, %add3A_718 : vector<1x10000xf32>
      %add3A_738 = arith.addf %mul3A_734, %mul3A_737 : vector<1x10000xf32>
      %cos3A_739 = math.cos %add3A_738 : vector<1x10000xf32>
      %mul3A_740 = arith.mulf %add3A_728, %cos3A_739 : vector<1x10000xf32>
      %sin3A_741 = math.sin %add3A_738 : vector<1x10000xf32>
      %mul3A_742 = arith.mulf %add3A_728, %sin3A_741 : vector<1x10000xf32>
      %concatenate3A_743 = tpu.concatenate %get3A_472, %get3A_475, %mul3A_539, %mul3A_606, %mul3A_673, %mul3A_740, %mul3A_541, %mul3A_608, %mul3A_675, %mul3A_742 in 0 : vector<1x10000xf32>, vector<1x10000xf32>, vector<1x10000xf32>, vector<1x10000xf32>, vector<1x10000xf32>, vector<1x10000xf32>, vector<1x10000xf32>, vector<1x10000xf32>, vector<1x10000xf32>, vector<1x10000xf32> -> vector<10x10000xf32>
      %swap3A_744 = arith.constant 0 : index
      %swap3A_745 = arith.constant 0 : index
      %swap3A_746 = vector.load %arg10[%swap3A_744, %swap3A_745] : memref<10x10000xf32, #tpu.memory_space<vmem>>, vector<10x10000xf32>
      tpu.vector_store %arg10[%swap3A_744, %swap3A_745], %concatenate3A_743 {strides = array<i32>} : memref<10x10000xf32, #tpu.memory_space<vmem>>, vector<10x10000xf32>,
    } else {
    }
    %get3A = arith.constant 0 : index
    %get3A_2 = arith.constant 0 : index
    %get3A_3 = vector.load %arg1[%get3A, %get3A_2] : memref<200x1xf32, #tpu.memory_space<vmem>>, vector<200x1xf32>
    %get3A_4 = arith.constant 0 : index
    %get3A_5 = arith.constant 0 : index
    %get3A_6 = vector.load %arg10[%get3A_4, %get3A_5] : memref<10x10000xf32, #tpu.memory_space<vmem>>, vector<10x10000xf32>
    %broadcast_in_dim3A = arith.constant 1.000000e+00 : f32
    %broadcast_in_dim3A_7 = vector.broadcast %broadcast_in_dim3A : f32 to vector<200x1xf32>
    %mul3A = arith.constant 25.1327419 : f32
    %mul3A_8 = vector.broadcast %mul3A : f32 to vector<200x1xf32>
    %mul3A_9 = arith.mulf %mul3A_8, %get3A_3 : vector<200x1xf32>
    %sin3A = math.sin %mul3A_9 : vector<200x1xf32>
    %mul3A_10 = arith.constant 12.566371 : f32
    %mul3A_11 = vector.broadcast %mul3A_10 : f32 to vector<200x1xf32>
    %mul3A_12 = arith.mulf %mul3A_11, %get3A_3 : vector<200x1xf32>
    %sin3A_13 = math.sin %mul3A_12 : vector<200x1xf32>
    %mul3A_14 = arith.constant 6.28318548 : f32
    %mul3A_15 = vector.broadcast %mul3A_14 : f32 to vector<200x1xf32>
    %mul3A_16 = arith.mulf %mul3A_15, %get3A_3 : vector<200x1xf32>
    %sin3A_17 = math.sin %mul3A_16 : vector<200x1xf32>
    %mul3A_18 = arith.constant 3.14159274 : f32
    %mul3A_19 = vector.broadcast %mul3A_18 : f32 to vector<200x1xf32>
    %mul3A_20 = arith.mulf %mul3A_19, %get3A_3 : vector<200x1xf32>
    %sin3A_21 = math.sin %mul3A_20 : vector<200x1xf32>
    %mul3A_22 = arith.constant 25.1327419 : f32
    %mul3A_23 = vector.broadcast %mul3A_22 : f32 to vector<200x1xf32>
    %mul3A_24 = arith.mulf %mul3A_23, %get3A_3 : vector<200x1xf32>
    %cos3A = math.cos %mul3A_24 : vector<200x1xf32>
    %mul3A_25 = arith.constant 12.566371 : f32
    %mul3A_26 = vector.broadcast %mul3A_25 : f32 to vector<200x1xf32>
    %mul3A_27 = arith.mulf %mul3A_26, %get3A_3 : vector<200x1xf32>
    %cos3A_28 = math.cos %mul3A_27 : vector<200x1xf32>
    %mul3A_29 = arith.constant 6.28318548 : f32
    %mul3A_30 = vector.broadcast %mul3A_29 : f32 to vector<200x1xf32>
    %mul3A_31 = arith.mulf %mul3A_30, %get3A_3 : vector<200x1xf32>
    %cos3A_32 = math.cos %mul3A_31 : vector<200x1xf32>
    %mul3A_33 = arith.constant 3.14159274 : f32
    %mul3A_34 = vector.broadcast %mul3A_33 : f32 to vector<200x1xf32>
    %mul3A_35 = arith.mulf %mul3A_34, %get3A_3 : vector<200x1xf32>
    %cos3A_36 = math.cos %mul3A_35 : vector<200x1xf32>
    %concatenate3A = tpu.concatenate %broadcast_in_dim3A_7, %get3A_3, %sin3A, %sin3A_13, %sin3A_17, %sin3A_21, %cos3A, %cos3A_28, %cos3A_32, %cos3A_36 in 1 : vector<200x1xf32>, vector<200x1xf32>, vector<200x1xf32>, vector<200x1xf32>, vector<200x1xf32>, vector<200x1xf32>, vector<200x1xf32>, vector<200x1xf32>, vector<200x1xf32>, vector<200x1xf32> -> vector<200x10xf32>
    %dot_general3A = arith.constant dense<0.000000e+00> : vector<200x10000xf32>
    %dot_general3A_37 = tpu.matmul %concatenate3A, %get3A_6, %dot_general3A {dimension_numbers = #tpu.dot_dimension_numbers<[1], [0], [0], [1], [0, 0, 1, 1], [], []>, transpose_lhs_hint = false} : vector<200x10xf32>, vector<10x10000xf32>, vector<200x10000xf32> -> vector<200x10000xf32>
    %swap3A = arith.constant 0 : index
    %swap3A_38 = arith.constant 0 : index
    %swap3A_39 = vector.load %arg9[%swap3A, %swap3A_38] : memref<200x10000xf32, #tpu.memory_space<vmem>>, vector<200x10000xf32>
    tpu.vector_store %arg9[%swap3A, %swap3A_38], %dot_general3A_37 {strides = array<i32>} : memref<200x10000xf32, #tpu.memory_space<vmem>>, vector<200x10000xf32>,
    return
  }
  func.func @transform_0(%arg0: i32) -> (i32, i32) {
    %c0_i32 = arith.constant 0 : i32
    %c0_i32_0 = arith.constant 0 : i32
    return %arg0, %c0_i32 : i32, i32
  }
  func.func @transform_1(%arg0: i32) -> (i32, i32) {
    %c0_i32 = arith.constant 0 : i32
    %c0_i32_0 = arith.constant 0 : i32
    %c0_i32_1 = arith.constant 0 : i32
    return %c0_i32, %c0_i32_0 : i32, i32
  }
  func.func @transform_2(%arg0: i32) -> (i32, i32) {
    %c0_i32 = arith.constant 0 : i32
    %c0_i32_0 = arith.constant 0 : i32
    %c0_i32_1 = arith.constant 0 : i32
    return %c0_i32, %c0_i32_0 : i32, i32
  }
  func.func @transform_3(%arg0: i32) -> (i32, i32) {
    %c0_i32 = arith.constant 0 : i32
    %c0_i32_0 = arith.constant 0 : i32
    %c0_i32_1 = arith.constant 0 : i32
    return %c0_i32, %c0_i32_0 : i32, i32
  }
  func.func @transform_4(%arg0: i32) -> (i32, i32) {
    %c0_i32 = arith.constant 0 : i32
    %c0_i32_0 = arith.constant 0 : i32
    %c0_i32_1 = arith.constant 0 : i32
    return %c0_i32, %c0_i32_0 : i32, i32
  }
  func.func @transform_5(%arg0: i32) -> (i32, i32) {
    %c0_i32 = arith.constant 0 : i32
    %c0_i32_0 = arith.constant 0 : i32
    %c0_i32_1 = arith.constant 0 : i32
    return %c0_i32, %c0_i32_0 : i32, i32
  }
  func.func @transform_6(%arg0: i32) -> (i32, i32) {
    %c0_i32 = arith.constant 0 : i32
    %c0_i32_0 = arith.constant 0 : i32
    %c0_i32_1 = arith.constant 0 : i32
    return %c0_i32, %c0_i32_0 : i32, i32
  }
  func.func @transform_7(%arg0: i32) -> (i32, i32) {
    %c0_i32 = arith.constant 0 : i32
    %c0_i32_0 = arith.constant 0 : i32
    %c0_i32_1 = arith.constant 0 : i32
    return %c0_i32, %c0_i32_0 : i32, i32
  }
  func.func @transform_8(%arg0: i32) -> (i32, i32) {
    %c0_i32 = arith.constant 0 : i32
    %c0_i32_0 = arith.constant 0 : i32
    return %arg0, %c0_i32 : i32, i32
  }
}

</mosaic_0001>

<sc_bundles>
// kernel: kernel.5.cloned.1.call-start
scs
__scs_entry_jumppad:
0x0: {  	(pc) =	sbr.rel $0x88, $3  }
0x1: {  	(tag) =	ssettag $0x0;
	lr =	simm.s32 $0x1  }
0x2: {  	[smem:$0x3F97] =	sst lr;
	_ =	strace $0xD0000000  }
0x3: {  	_ = 	snop  }
0x4: {  	_ = 	snop  }
0x5: {  	_ = 	snop  }
0x6: {  	_ = 	snop  }
0x7: {  	_ = 	snop  }
__scs_overlays_trampoline_lowered:
0x8: {  	[smem:$0x3FA6] =	sst s0  }
0x9: {  	[smem:$0x3FA7] =	sst s1  }
0xa: {  	[smem:$0x3FA8] =	sst s2  }
0xb: {  	[smem:$0x3FA9] =	sst s3  }
0xc: {  	[smem:$0x3FAA] =	sst s4  }
0xd: {  	[smem:$0x3FAB] =	sst s5  }
0xe: {  	[smem:$0x3FAC] =	sst s6  }
0xf: {  	[smem:$0x3FAD] =	sst s7  }
0x10: {  	[smem:$0x3FAE] =	sst s8  }
0x11: {  	[smem:$0x3FAF] =	sst s9;
	s0 =	simm.s32 @!p0 $0x0  }
0x12: {  	s1 =	sld [smem:$0x3F95];
	s0 =	simm.s32 @p0 $0x1  }
0x13: {  	[smem:$0x3FB0] =	sst s0;
	s0 =	simm.s32 @!p1 $0x0  }
0x14: {  	s2 =	sld [smem:$0x3F94];
	s0 =	simm.s32 @p1 $0x1  }
0x15: {  	[smem:$0x3FB1] =	sst s0;
	s0 =	simm.s32 @!p2 $0x0  }
0x16: {  	s3 =	sld [smem:$0x3FDB];
	s0 =	simm.s32 @p2 $0x1  }
0x17: {  	s4 =	simm.s32 $0x1BF5;
	[smem:$0x3FB3] =	sst s0  }
0x18: {  	s0 =	sld [smem:$0x3F96];
	_ =	swait.ge [sflag:s4], $0x0  }
0x19: {  	s7 =	sld [smem:$0x3F97]  }
0x1a: {  	s8 =	sadd.s32 $0xFFFFE003, lr  }
0x1b: {  	s9 =	sadd.s32 $0xFFFFFEF7, lr;
	s5 =	simm.s32 $0xFFFFFFFF;
	p2 =	slt.u32 s8, $0xFFFFF086  }
0x1c: {  	p1 =	slt.u32 s9, $0xF7A;
	s5 =	simm.s32 @!p2 $0x0  }
0x1d: {  	s5 =	simm.s32 @p1 $0x1;
	p0 =	seq.s32 s7, s2  }
0x1e: {  	s7 =	smul.u32 @!p0 $0xF7A, s2;
	p2 =	seq.s32 @!p0 s5, $0x0  }
0x1f: {  	s9 =	smul.u32 $0xF7A, s1;
	s8 =	simm.s32 @!p0 $0x1BF5;
	p2 =	por !p2, p0  }
0x20: {  	[sflag:s8] =	ssyncset.s32 @!p0 $0xFFFFF086;
	s6 =	sadd.s32 @!p0 s3, s7;
	s7 =	simm.s32 @!p0 $0x108  }
0x21: {  	s3 =	sadd.s32 s3, s9;
	s6 =	sadd.s32 @!p0 $0x88, s6;
	s7 =	simm.s32 @p2 $0x1082  }
0x22: {  	[simem:s7], [sflag:s8] =	dma.local @!p0 [hbm:s6], $0xF7A  }
0x23: {  	s9 =	sor.u32 $0xD0000000, s2;
	s6 =	simm.s32 $0x108;
	_ =	swait.ge @!p0 [sflag:s8], $0x0  }
0x24: {  	s3 =	sadd.s32 $0x88, s3;
	s6 =	simm.s32 @!p1 $0x1082;
	[sflag:s4] =	ssyncset.s32 $0xFFFFF086  }
0x25: {  	[simem:s6], [sflag:s4] =	dma.local [hbm:s3], $0xF7A  }
0x26: {  	[smem:$0x3F97] =	sst s1;
	(tag) =	ssettag s2;
	_ =	strace s9  }
0x27: {  	s1 =	sld [smem:$0x3FA7]  }
0x28: {  	s2 =	sld [smem:$0x3FA8]  }
0x29: {  	s4 =	sld [smem:$0x3FAA]  }
0x2a: {  	p0 =	seq.s32 s5, $0x0;
	s5 =	sld [smem:$0x3FAB]  }
0x2b: {  	s6 =	sld [smem:$0x3FAC]  }
0x2c: {  	s7 =	sld [smem:$0x3FAD]  }
0x2d: {  	s3 =	simm.s32 $0x108;
	s8 =	sld [smem:$0x3FAE]  }
0x2e: {  	s3 =	simm.s32 @!p0 $0x1082;
	s9 =	sld [smem:$0x3FAF]  }
0x2f: {  	lr =	sadd.s32 s0, s3;
	s0 =	sld [smem:$0x3FA6]  }
0x30: {  	s3 =	sld [smem:$0x3FA9]  }
0x31: {  	[smem:$0x3FB2] =	sst s10  }
0x32: {  	s10 =	sld [smem:$0x3FB0];
	_ =	sdelay $0x3  }
0x33: {  	p0 =	seq.s32 s10, $0x1;
	s10 =	sld [smem:$0x3FB2];
	_ =	sdelay $0x3  }
0x34: {  	[smem:$0x3FB2] =	sst s10  }
0x35: {  	s10 =	sld [smem:$0x3FB1];
	_ =	sdelay $0x3  }
0x36: {  	p1 =	seq.s32 s10, $0x1;
	s10 =	sld [smem:$0x3FB2];
	_ =	sdelay $0x3  }
0x37: {  	[smem:$0x3FB2] =	sst s10  }
0x38: {  	s10 =	sld [smem:$0x3FB3]  }
0x39: {  	_ = 	snop;
	(pc) =	sbr.ind lr, $3  }
0x3a: {  	_ = 	snop  }
0x3b: {  	_ = 	snop  }
0x3c: {  	p2 =	seq.s32 s10, $0x1;
	s10 =	sld [smem:$0x3FB2]  }
0x3d: {  	_ =	shalt  }
0x3e: {  	_ =	shalt  }
0x3f: {  	_ =	shalt  }
0x40: {  	_ =	shalt  }
0x41: {  	_ =	shalt  }
0x42: {  	_ =	shalt  }
0x43: {  	_ =	shalt  }
0x44: {  	_ =	shalt  }
0x45: {  	_ =	shalt  }
0x46: {  	_ =	shalt  }
0x47: {  	_ =	shalt  }
0x48: {  	_ =	shalt  }
0x49: {  	_ =	shalt  }
0x4a: {  	_ =	shalt  }
0x4b: {  	_ =	shalt  }
0x4c: {  	_ =	shalt  }
0x4d: {  	_ =	shalt  }
0x4e: {  	_ =	shalt  }
0x4f: {  	_ =	shalt  }
0x50: {  	_ =	shalt  }
0x51: {  	_ =	shalt  }
0x52: {  	_ =	shalt  }
0x53: {  	_ =	shalt  }
0x54: {  	_ =	shalt  }
0x55: {  	_ =	shalt  }
0x56: {  	_ =	shalt  }
0x57: {  	_ =	shalt  }
0x58: {  	_ =	shalt  }
0x59: {  	_ =	shalt  }
0x5a: {  	_ =	shalt  }
0x5b: {  	_ =	shalt  }
0x5c: {  	_ =	shalt  }
0x5d: {  	_ =	shalt  }
0x5e: {  	_ =	shalt  }
0x5f: {  	_ =	shalt  }
0x60: {  	_ =	shalt  }
0x61: {  	_ =	shalt  }
0x62: {  	_ =	shalt  }
0x63: {  	_ =	shalt  }
0x64: {  	_ =	shalt  }
0x65: {  	_ =	shalt  }
0x66: {  	_ =	shalt  }
0x67: {  	_ =	shalt  }
0x68: {  	_ =	shalt  }
0x69: {  	_ =	shalt  }
0x6a: {  	_ =	shalt  }
0x6b: {  	_ =	shalt  }
0x6c: {  	_ =	shalt  }
0x6d: {  	_ =	shalt  }
0x6e: {  	_ =	shalt  }
0x6f: {  	_ =	shalt  }
0x70: {  	_ =	shalt  }
0x71: {  	_ =	shalt  }
0x72: {  	_ =	shalt  }
0x73: {  	_ =	shalt  }
0x74: {  	_ =	shalt  }
0x75: {  	_ =	shalt  }
0x76: {  	_ =	shalt  }
0x77: {  	_ =	shalt  }
0x78: {  	_ =	shalt  }
0x79: {  	_ =	shalt  }
0x7a: {  	_ =	shalt  }
0x7b: {  	_ =	shalt  }
0x7c: {  	_ =	shalt  }
0x7d: {  	_ =	shalt  }
0x7e: {  	_ =	shalt  }
0x7f: {  	_ =	shalt  }
0x80: {  	_ =	shalt  }
0x81: {  	_ =	shalt  }
0x82: {  	_ =	shalt  }
0x83: {  	_ =	shalt  }
0x84: {  	_ =	shalt  }
0x85: {  	_ =	shalt  }
0x86: {  	_ =	shalt  }
0x87: {  	_ =	shalt  }
.Lfunc_end0:
.L_simem_size_0:
called_computation_lowered:
.L_overlay_start_0:
0x88: {  	s2 =	sld [smem:$0x3FD9]  }
0x89: {  	s3 =	sld [smem:$0x3FFE];
	_ =	sdelay $0x1  }
0x8a: {  	s1 =	srdreg.scid  }
0x8b: {  	s0 =	sand.u32 $0x1, s1  }
0x8c: {  	s17 =	sshll.u32 s0, $0xA;
	s2 =	sadd.s32 s3, s2  }
0x8d: {  	s2 =	sadd.s32 s2, s17  }
0x8e: {  	[smem:$0x3FBE] =	sst s2  }
0x8f: {  	_ = 	snop  }
0x90: {  	s2 =	sld [smem:$0x3FD0];
	(tm) =	ssettm $0x1  }
0x91: {  	s18 =	sld [smem:$0x3FFB];
	_ =	sdelay $0x3  }
0x92: {  	_ =	strace s18  }
0x93: {  	s3 =	sld [smem:$0x3FFC];
	_ =	sdelay $0x3  }
0x94: {  	_ =	strace s3  }
0x95: {  	s3 =	sld [smem:$0x3FFD];
	_ =	sdelay $0x3  }
0x96: {  	_ =	strace s3  }
0x97: {  	_ =	strace $0x8FFFFFFF  }
0x98: {  	s19 =	sld [smem:$0x3FDB];
	_ =	sdelay $0x1  }
0x99: {  	s4 =	simm.s32 $_scs_section_size  }
0x9a: {  	s5 =	simm.s32 $_size__tile_overlayer_lowered;
	s6 =	simm.s32 $_tile_overlayer_lowered  }
0x9b: {  	s22 =	simm.s32 $0x1BFF;
	s21 =	sshll.u32 s6, $0x1;
	s3 =	sadd.s32 s4, s19  }
0x9c: {  	s7 =	simm.s32 $0x0;
	s20 =	sshll.u32 s5, $0x1;
	s5 =	sadd.s32 s21, s3  }
0x9d: {  	[timem:s7], [sflag:s22] =	dma.local [hbm:s5], s20  }
0x9e: {  	_ =	swait.ge [sflag:s22], s20  }
0x9f: {  	s4 =	ssub.s32 $0x0, s20;
	[sflag:s22] =	ssyncset.done $0x0  }
0xa0: {  	[sflag:s22] =	ssyncadd.s32 s4;
	_ =	sdelay $0x1  }
0xa1: {  	s23 =	simm.s32 $0x1B8B  }
0xa2: {  	_ =	swait.ge [sflag:s23], $0x1  }
0xa3: {  	[sflag:s23] =	ssyncset.done $0x0  }
0xa4: {  	s25 =	simm.s32 $0x1B8E;
	s24 =	sld [smem:$0x3FFE];
	[sflag:s23] =	ssyncadd.s32 $0xFFFFFFFF  }
0xa5: {  	s26 =	simm.s32 $execute0_lowered;
	[smem:$0x3FD2] =	sst s25  }
0xa6: {  	s5 =	sshll.u32 s26, $0x1;
	_ =	strace $0x80000046;
	[dreg:$0x1] =	wrdreg $0xFFFFFFFF  }
0xa7: {  	s28 =	simm.s32 $_size_execute0_lowered;
	s3 =	sadd.s32 s3, s5;
	[dreg:$0x0] =	wrdreg $0x0  }
0xa8: {  	s5 =	sshll.u32 s28, $0x1;
	[dreg:$0x2] =	wrdreg s3  }
0xa9: {  	[dreg:$0x3] =	wrdreg s5  }
0xaa: {  	[dreg:$0x4] =	wrdreg $0xC0  }
0xab: {  	_ =	task [dreg:s7], $0x5FFFF  }
0xac: {  	[dreg:$0x1] =	wrdreg $0xFFFFFFFF  }
0xad: {  	[dreg:$0x0] =	wrdreg $0x60  }
0xae: {  	[dreg:$0x2] =	wrdreg s2  }
0xaf: {  	[dreg:$0x3] =	wrdreg s24  }
0xb0: {  	[dreg:$0x4] =	wrdreg $0x9  }
0xb1: {  	_ =	task.clear_ibuf [dreg:s7], $0x5FFFF;
	_ =	strace $0x90000046  }
0xb2: {  	s29 =	simm.s32 $0x9;
	_ =	strace $0x80000048  }
0xb3: {  	_ =	swait.ge [sflag:s29], $0x1  }
0xb4: {  	[sflag:s29] =	ssyncadd.s32 $0xFFFFFFFF  }
0xb5: {  	_ =	strace $0x90000048  }
0xb6: {  	_ =	sfence  }
0xb7: {  	s30 =	sld [smem:$0x0];
	_ =	sdelay $0x2  }
0xb8: {  	s31 =	sshll.u32 s1, $0xD;
	s1 =	sshrl.u32 s1, $0x2  }
0xb9: {  	s3 =	sand.u32 $0x4000, s31;
	s1 =	sadd.s32 s1, s30  }
0xba: {  	s0 =	sor.u32 s3, s0;
	s1 =	sshll.u32 s1, $0x11  }
0xbb: {  	s0 =	sor.u32 s1, s0  }
0xbc: {  	s0 =	sadd.s32 $0x8F2B, s0  }
0xbd: {  	[sflag:s0] =	ssyncadd.remote.s32 $0x1  }
0xbe: {  	_ =	sfence.sel $0xFFFF  }
0xbf: {  	[dreg:$0x0] =	wrdreg $0xFFFFFFFF;
	(pc) =	sbr.abs _section_cstart, $3  }
0xc0: {  	[dreg:$0x1] =	wrdreg $0xFFFFFFFF  }
0xc1: {  	_ =	task.clear_ibuf [dreg:s7], $0x2FFFF;
	_ =	strace $0x9FFFFFFF  }
0xc2: {  	(tm) =	ssettm $0x7FFFFFFF  }
0xc3: {  	_ =	shalt  }
tec
execute0_lowered:
.L_overlay_start_1:
0x0: {  	(tag) =	ssettag $0x1  }
0x1: {  	s1 =	stileid.u32  }
0x2: {  	p0 =	seq.s32 s1, $0xF  }
.Ltmp0:
0x3: {  	_ = 	snop;
	(pc) =	sbr.rel @p0 .LBB2_5-.Ltmp0, $4  }
0x4: {  	s9 =	rddreg [dreg:$0x0]  }
0x5: {  	s3 =	rddreg [dreg:$0x1];
	s2 =	simm.s32 $0x0  }
0x6: {  	[smem:$0x7FF] =	sst s2  }
0x7: {  	s0 =	rddreg [dreg:$0x2];
	_ =	strace $0x80000047  }
0x8: {  	s4 =	srdreg.scid  }
0x9: {  	s26 =	sshll.u32 s1, $0x1;
	s6 =	sand.u32 $0x1, s4  }
0xa: {  	s4 =	sor.u32 s6, s26  }
0xb: {  	s5 =	smul.u32 $0x56, s4  }
0xc: {  	s14 =	simm.s32 $0xDAC0  }
0xd: {  	s15 =	simm.s32 $0x11940;
	s16 =	simm.s32 $0x3E8;
	s5 =	sshrl.u32 s5, $0x8  }
0xe: {  	s17 =	simm.s32 $0x2710;
	s18 =	simm.s32 $0x157C0;
	s7 =	smul.u32 $0x3, s5  }
0xf: {  	s19 =	simm.s32 $0x16760;
	s20 =	simm.s32 $0x0;
	s12 =	ssub.s32 $0x2, s6  }
0x10: {  	s13 =	sshrl.u32 s12, $0x1;
	s29 =	smul.u32 $0x7D0, s5;
	s4 =	ssub.s32 s4, s7  }
0x11: {  	s31 =	ssub.s32 s12, s13;
	s28 =	smul.u32 $0x3E8, s5;
	s4 =	sand.u32 $0xFF, s4  }
0x12: {  	s12 =	simm.s32 $0x9C40;
	s8 =	sadd.s32 s29, s3;
	s10 =	smul.u32 $0x9C40, s4  }
0x13: {  	s13 =	simm.s32 $0xBB80;
	s7 =	sadd.s32 s28, s3;
	s6 =	sadd.s32 $0x10E00, s8  }
0x14: {  	s4 =	sadd.s32 $0x9600, s7;
	s30 =	sadd.s32 s28, s10;
	s10 =	sshrl.u32 s10, $0x3  }
0x15: {  	s5 =	sshrl.u32 s30, $0x3;
	s9 =	sadd.s32 s9, s10;
	s10 =	smax.u32 s31, $0x1  }
0x16: {  	s11 =	sadd.s32 s5, s3;
	s3 =	sadd.s32 $0x6E00, s7;
	s5 =	sadd.s32 $0xBE00, s8  }
0x17: {  	v0 =	vlaneseq.u32;
	s7 =	sadd.s32 $0x19A00, s11;
	s8 =	sadd.s32 $0x15E00, s11;
	s11 =	simm.s32 $0x1  }
.LBB2_2:
0x18: {  	s22 =	simm.s32 $0x0  }
0x19: {  	[tilespmem:s22], [sflag:$0x1] =	stream.linear.gather [hbm4b:s9+s22], $0x9C40, $0x38;
	[tilespmem:$0x17700] =	vst v63  }
0x1a: {  	_ =	swait.ge [sflag:s11], $0x9C40  }
0x1b: {  	[sflag:s11] =	ssyncset.done $0x0  }
0x1c: {  	[sflag:s11] =	ssyncadd.s32 $0xFFFF63C0  }
0x1d: {  	[tilespmem:s12], [sflag:$0x1] =	stream.linear.gather [hbm4b:s3+s22], $0x1F40, $0x38;
	[tilespmem:$0x17700] =	vst v63  }
0x1e: {  	_ =	swait.ge [sflag:s11], $0x1F40  }
0x1f: {  	[sflag:s11] =	ssyncset.done $0x0  }
0x20: {  	[sflag:s11] =	ssyncadd.s32 $0xFFFFE0C0  }
0x21: {  	[tilespmem:s13], [sflag:$0x1] =	stream.linear.gather [hbm4b:s4+s22], $0x1F40, $0x38;
	[tilespmem:$0x17700] =	vst v63  }
0x22: {  	_ =	swait.ge [sflag:s11], $0x1F40  }
0x23: {  	[sflag:s11] =	ssyncset.done $0x0  }
0x24: {  	[sflag:s11] =	ssyncadd.s32 $0xFFFFE0C0  }
0x25: {  	[tilespmem:s14], [sflag:$0x1] =	stream.linear.gather [hbm4b:s5+s22], $0x3E80, $0x38;
	[tilespmem:$0x17700] =	vst v63  }
0x26: {  	s21 =	smin.u32 s22, $0x3D8;
	_ =	swait.ge [sflag:s11], $0x3E80  }
0x27: {  	v1 =	vadd.s32 s21, v0;
	[sflag:s11] =	ssyncset.done $0x0  }
0x28: {  	v2 =	vshll.u32 v1, $0x3;
	[sflag:s11] =	ssyncadd.s32 $0xFFFFC180  }
0x29: {  	[tilespmem:s15], [sflag:$0x1] =	stream.linear.gather [hbm4b:s6+s22], $0x3E80, $0x38;
	[tilespmem:$0x17700] =	vst v63  }
0x2a: {  	v3 =	vor.u32 $0x1, v2;
	_ =	swait.ge [sflag:s11], $0x3E80  }
0x2b: {  	[sflag:s11] =	ssyncset.done $0x0  }
0x2c: {  	v4 =	vor.u32 $0x2, v2;
	[sflag:s11] =	ssyncadd.s32 $0xFFFFC180  }
0x2d: {  	v5 =	vor.u32 $0x3, v2;
	v6 =	vld.idx.msk [tilespmem:v2+s12+$0x0], $0xffff  }
0x2e: {  	v7 =	vor.u32 $0x4, v2  }
0x2f: {  	v8 =	vld.idx.msk [tilespmem:v3+s12+$0x0], $0xffff;
	_ =	sdelay $0x1  }
0x30: {  	v9 =	vld.idx.msk [tilespmem:v4+s12+$0x0], $0xffff  }
0x31: {  	v10 =	vld.idx.msk [tilespmem:v5+s12+$0x0], $0xffff  }
0x32: {  	v11 =	vld.idx.msk [tilespmem:v7+s12+$0x0], $0xffff  }
0x33: {  	v2 =	vld.idx.msk [tilespmem:v2+s13+$0x0], $0xffff  }
0x34: {  	v12 =	vld.idx.msk [tilespmem:v6+s2+$0x0], $0xffff  }
0x35: {  	v3 =	vld.idx.msk [tilespmem:v3+s13+$0x0], $0xffff  }
0x36: {  	v13 =	vld.idx.msk [tilespmem:v8+s2+$0x0], $0xffff  }
0x37: {  	v4 =	vld.idx.msk [tilespmem:v4+s13+$0x0], $0xffff  }
0x38: {  	v14 =	vld.idx.msk [tilespmem:v9+s2+$0x0], $0xffff  }
0x39: {  	v5 =	vld.idx.msk [tilespmem:v5+s13+$0x0], $0xffff;
	v12 =	vmul.f32 v12, v2  }
0x3a: {  	v15 =	vld.idx.msk [tilespmem:v10+s2+$0x0], $0xffff  }
0x3b: {  	v7 =	vld.idx.msk [tilespmem:v7+s13+$0x0], $0xffff;
	v13 =	vmul.f32 v13, v3;
	v12 =	vadd.f32 $0.0e+00, v12  }
0x3c: {  	v16 =	vld.idx.msk [tilespmem:v11+s2+$0x0], $0xffff  }
0x3d: {  	v12 =	vadd.f32 v13, v12;
	v13 =	vmul.f32 v14, v4;
	_ =	sdelay $0x1  }
0x3e: {  	v12 =	vadd.f32 v13, v12;
	v13 =	vmul.f32 v15, v5;
	_ =	sdelay $0x1  }
0x3f: {  	v14 =	vadd.s32 $0x2710, v6;
	v12 =	vadd.f32 v13, v12;
	v13 =	vmul.f32 v16, v7;
	_ =	sdelay $0x1  }
0x40: {  	v15 =	vadd.s32 $0x2710, v8;
	v12 =	vadd.f32 v13, v12;
	_ =	sdelay $0x1  }
0x41: {  	v13 =	vadd.s32 $0x2710, v9;
	[tilespmem:s21+$0x157C0] =	vst v12  }
0x42: {  	v12 =	vld.idx.msk [tilespmem:v14+s2+$0x0], $0xffff  }
0x43: {  	v14 =	vadd.s32 $0x2710, v10  }
0x44: {  	v15 =	vld.idx.msk [tilespmem:v15+s2+$0x0], $0xffff  }
0x45: {  	v16 =	vadd.s32 $0x2710, v11  }
0x46: {  	v13 =	vld.idx.msk [tilespmem:v13+s2+$0x0], $0xffff  }
0x47: {  	v12 =	vmul.f32 v12, v2  }
0x48: {  	v14 =	vld.idx.msk [tilespmem:v14+s2+$0x0], $0xffff  }
0x49: {  	v15 =	vmul.f32 v15, v3;
	v12 =	vadd.f32 $0.0e+00, v12  }
0x4a: {  	v16 =	vld.idx.msk [tilespmem:v16+s2+$0x0], $0xffff  }
0x4b: {  	v13 =	vmul.f32 v13, v4;
	v12 =	vadd.f32 v15, v12;
	_ =	sdelay $0x1  }
0x4c: {  	v12 =	vadd.f32 v13, v12;
	v13 =	vmul.f32 v14, v5;
	_ =	sdelay $0x1  }
0x4d: {  	v14 =	vadd.s32 $0x4E20, v6;
	v12 =	vadd.f32 v13, v12;
	v13 =	vmul.f32 v16, v7;
	_ =	sdelay $0x1  }
0x4e: {  	v12 =	vadd.f32 v13, v12;
	v13 =	vadd.s32 $0x4E20, v8;
	_ =	sdelay $0x1  }
0x4f: {  	[tilespmem:s21+$0x15BA8] =	vst v12;
	v12 =	vadd.s32 $0x4E20, v9  }
0x50: {  	v14 =	vld.idx.msk [tilespmem:v14+s2+$0x0], $0xffff  }
0x51: {  	v15 =	vadd.s32 $0x4E20, v10  }
0x52: {  	v13 =	vld.idx.msk [tilespmem:v13+s2+$0x0], $0xffff  }
0x53: {  	v16 =	vadd.s32 $0x4E20, v11  }
0x54: {  	v12 =	vld.idx.msk [tilespmem:v12+s2+$0x0], $0xffff  }
0x55: {  	v14 =	vmul.f32 v14, v2  }
0x56: {  	v15 =	vld.idx.msk [tilespmem:v15+s2+$0x0], $0xffff  }
0x57: {  	v14 =	vadd.f32 $0.0e+00, v14;
	v13 =	vmul.f32 v13, v3  }
0x58: {  	v16 =	vld.idx.msk [tilespmem:v16+s2+$0x0], $0xffff  }
0x59: {  	v13 =	vadd.f32 v13, v14;
	v12 =	vmul.f32 v12, v4;
	_ =	sdelay $0x1  }
0x5a: {  	v12 =	vadd.f32 v12, v13;
	v13 =	vmul.f32 v15, v5;
	_ =	sdelay $0x1  }
0x5b: {  	v6 =	vadd.s32 $0x7530, v6;
	v12 =	vadd.f32 v13, v12;
	v13 =	vmul.f32 v16, v7;
	_ =	sdelay $0x1  }
0x5c: {  	v8 =	vadd.s32 $0x7530, v8;
	v12 =	vadd.f32 v13, v12;
	_ =	sdelay $0x1  }
0x5d: {  	v9 =	vadd.s32 $0x7530, v9;
	[tilespmem:s21+$0x15F90] =	vst v12  }
0x5e: {  	v6 =	vld.idx.msk [tilespmem:v6+s2+$0x0], $0xffff  }
0x5f: {  	v10 =	vadd.s32 $0x7530, v10  }
0x60: {  	v8 =	vld.idx.msk [tilespmem:v8+s2+$0x0], $0xffff  }
0x61: {  	v11 =	vadd.s32 $0x7530, v11  }
0x62: {  	v9 =	vld.idx.msk [tilespmem:v9+s2+$0x0], $0xffff  }
0x63: {  	v2 =	vmul.f32 v6, v2  }
0x64: {  	v6 =	vld.idx.msk [tilespmem:v10+s2+$0x0], $0xffff  }
0x65: {  	v3 =	vmul.f32 v8, v3;
	v2 =	vadd.f32 $0.0e+00, v2  }
0x66: {  	v8 =	vld.idx.msk [tilespmem:v11+s2+$0x0], $0xffff  }
0x67: {  	v2 =	vadd.f32 v3, v2;
	v3 =	vmul.f32 v9, v4;
	_ =	sdelay $0x1  }
0x68: {  	v2 =	vadd.f32 v3, v2;
	v3 =	vmul.f32 v6, v5;
	_ =	sdelay $0x1  }
0x69: {  	v4 =	vshll.u32 v1, $0x4;
	v2 =	vadd.f32 v3, v2;
	v3 =	vmul.f32 v8, v7;
	_ =	sdelay $0x1  }
0x6a: {  	v5 =	vor.u32 $0xA, v4;
	v1 =	vadd.f32 v3, v2  }
0x6b: {  	v6 =	vor.u32 $0x3, v4  }
0x6c: {  	v7 =	vor.u32 $0x4, v4;
	[tilespmem:s21+$0x16378] =	vst v1  }
0x6d: {  	v25 =	vor.u32 $0x9, v4;
	v13 =	vld.idx.msk [tilespmem:v4+s14+$0x0], $0xffff  }
0x6e: {  	v12 =	vor.u32 $0x8, v4;
	v11 =	vld.idx.msk [tilespmem:v4+s15+$0x0], $0xffff  }
0x6f: {  	v21 =	vor.u32 $0x7, v4;
	v1 =	vld.idx.msk [tilespmem:v5+s15+$0x0], $0xffff  }
0x70: {  	v16 =	vor.u32 $0x2, v4;
	v14 =	vld.idx.msk [tilespmem:v6+s14+$0x0], $0xffff  }
0x71: {  	v17 =	vor.u32 $0x1, v4;
	v15 =	vld.idx.msk [tilespmem:v7+s14+$0x0], $0xffff  }
0x72: {  	v23 =	vor.u32 $0x6, v4;
	v2 =	vld.idx.msk [tilespmem:v25+s15+$0x0], $0xffff  }
0x73: {  	v3 =	vld.idx.msk [tilespmem:v12+s15+$0x0], $0xffff  }
0x74: {  	v8 =	vld.idx.msk [tilespmem:v21+s15+$0x0], $0xffff  }
0x75: {  	v26 =	vor.u32 $0x5, v4;
	v19 =	vld.idx.msk [tilespmem:v16+s14+$0x0], $0xffff  }
0x76: {  	v22 =	vld.idx.msk [tilespmem:v17+s14+$0x0], $0xffff  }
0x77: {  	v9 =	vld.idx.msk [tilespmem:v23+s15+$0x0], $0xffff  }
0x78: {  	v10 =	vld.idx.msk [tilespmem:v7+s15+$0x0], $0xffff  }
0x79: {  	v18 =	vld.idx.msk [tilespmem:v17+s15+$0x0], $0xffff  }
0x7a: {  	v20 =	vld.idx.msk [tilespmem:v26+s14+$0x0], $0xffff  }
0x7b: {  	v17 =	vld.idx.msk [tilespmem:v16+s15+$0x0], $0xffff  }
0x7c: {  	v23 =	vld.idx.msk [tilespmem:v23+s14+$0x0], $0xffff  }
0x7d: {  	v24 =	vld.idx.msk [tilespmem:v13+s2+$0x0], $0xffff  }
0x7e: {  	v16 =	vld.idx.msk [tilespmem:v6+s15+$0x0], $0xffff  }
0x7f: {  	v29 =	vld.idx.msk [tilespmem:v22+s2+$0x0], $0xffff  }
0x80: {  	v27 =	vld.idx.msk [tilespmem:v14+s2+$0x0], $0xffff  }
0x81: {  	v7 =	vld.idx.msk [tilespmem:v19+s2+$0x0], $0xffff  }
0x82: {  	v28 =	vld.idx.msk [tilespmem:v15+s2+$0x0], $0xffff;
	v30 =	vmul.f32 v24, v11  }
0x83: {  	v24 =	vld.idx.msk [tilespmem:v21+s14+$0x0], $0xffff  }
0x84: {  	v21 =	vld.idx.msk [tilespmem:v12+s14+$0x0], $0xffff;
	v29 =	vmul.f32 v29, v18;
	v6 =	vadd.f32 $0.0e+00, v30  }
0x85: {  	v31 =	vor.u32 $0xB, v4;
	v12 =	vld.idx.msk [tilespmem:v26+s15+$0x0], $0xffff  }
0x86: {  	v7 =	vmul.f32 v7, v17;
	v26 =	vld.idx.msk [tilespmem:v25+s14+$0x0], $0xffff;
	v6 =	vadd.f32 v29, v6  }
0x87: {  	v32 =	vor.u32 $0xC, v4;
	v50 =	vld.idx.msk [tilespmem:v20+s2+$0x0], $0xffff  }
0x88: {  	v25 =	vld.idx.msk [tilespmem:v5+s14+$0x0], $0xffff;
	v5 =	vadd.f32 v7, v6;
	v6 =	vmul.f32 v27, v16  }
0x89: {  	v33 =	vld.idx.msk [tilespmem:v23+s2+$0x0], $0xffff  }
0x8a: {  	v7 =	vor.u32 $0xD, v4;
	v27 =	vld.idx.msk [tilespmem:v31+s14+$0x0], $0xffff;
	v5 =	vadd.f32 v6, v5;
	v6 =	vmul.f32 v28, v10  }
0x8b: {  	v35 =	vor.u32 $0xE, v4;
	v34 =	vld.idx.msk [tilespmem:v24+s2+$0x0], $0xffff  }
0x8c: {  	v29 =	vld.idx.msk [tilespmem:v32+s14+$0x0], $0xffff;
	v5 =	vadd.f32 v6, v5;
	v6 =	vmul.f32 v50, v12  }
0x8d: {  	v4 =	vld.idx.msk [tilespmem:v21+s2+$0x0], $0xffff  }
0x8e: {  	v51 =	vld.idx.msk [tilespmem:v26+s2+$0x0], $0xffff;
	v5 =	vadd.f32 v6, v5;
	v6 =	vmul.f32 v33, v9  }
0x8f: {  	v28 =	vld.idx.msk [tilespmem:v7+s14+$0x0], $0xffff  }
0x90: {  	v30 =	vld.idx.msk [tilespmem:v35+s14+$0x0], $0xffff;
	v5 =	vadd.f32 v6, v5;
	v6 =	vmul.f32 v34, v8  }
0x91: {  	v36 =	vld.idx.msk [tilespmem:v25+s2+$0x0], $0xffff  }
0x92: {  	v37 =	vmul.f32 v4, v3;
	v52 =	vld.idx.msk [tilespmem:v27+s2+$0x0], $0xffff;
	v6 =	vadd.f32 v6, v5  }
0x93: {  	v5 =	vld.idx.msk [tilespmem:v31+s15+$0x0], $0xffff  }
0x94: {  	v54 =	vld.idx.msk [tilespmem:v29+s2+$0x0], $0xffff;
	v53 =	vmul.f32 v51, v2;
	v6 =	vadd.f32 v37, v6  }
0x95: {  	v4 =	vld.idx.msk [tilespmem:v32+s15+$0x0], $0xffff  }
0x96: {  	v7 =	vld.idx.msk [tilespmem:v7+s15+$0x0], $0xffff;
	v36 =	vmul.f32 v36, v1;
	v31 =	vadd.f32 v53, v6  }
0x97: {  	v55 =	vld.idx.msk [tilespmem:v28+s2+$0x0], $0xffff  }
0x98: {  	v56 =	vld.idx.msk [tilespmem:v30+s2+$0x0], $0xffff;
	v34 =	vmul.f32 v52, v5;
	v31 =	vadd.f32 v36, v31  }
0x99: {  	v6 =	vld.idx.msk [tilespmem:v35+s15+$0x0], $0xffff  }
0x9a: {  	v32 =	vmul.f32 v54, v4;
	v31 =	vadd.f32 v34, v31;
	_ =	sdelay $0x1  }
0x9b: {  	v57 =	vmul.f32 v55, v7;
	v31 =	vadd.f32 v32, v31;
	_ =	sdelay $0x1  }
0x9c: {  	v59 =	vadd.s32 $0x2710, v13;
	v58 =	vmul.f32 v56, v6;
	v31 =	vadd.f32 v57, v31;
	_ =	sdelay $0x1  }
0x9d: {  	v60 =	vadd.s32 $0x2710, v22;
	v31 =	vadd.f32 v58, v31;
	_ =	sdelay $0x1  }
0x9e: {  	v61 =	vadd.s32 $0x2710, v19;
	[tilespmem:s21+$0x16760] =	vst v31  }
0x9f: {  	v31 =	vld.idx.msk [tilespmem:v59+s2+$0x0], $0xffff  }
0xa0: {  	v62 =	vadd.s32 $0x2710, v14  }
0xa1: {  	v34 =	vld.idx.msk [tilespmem:v60+s2+$0x0], $0xffff  }
0xa2: {  	v63 =	vadd.s32 $0x2710, v15  }
0xa3: {  	v32 =	vld.idx.msk [tilespmem:v61+s2+$0x0], $0xffff  }
0xa4: {  	v40 =	vadd.s32 $0x2710, v20;
	v31 =	vmul.f32 v31, v11  }
0xa5: {  	v33 =	vld.idx.msk [tilespmem:v62+s2+$0x0], $0xffff  }
0xa6: {  	v41 =	vadd.s32 $0x2710, v23;
	v34 =	vmul.f32 v34, v18;
	v31 =	vadd.f32 $0.0e+00, v31  }
0xa7: {  	v35 =	vld.idx.msk [tilespmem:v63+s2+$0x0], $0xffff  }
0xa8: {  	v38 =	vadd.s32 $0x2710, v24;
	v32 =	vmul.f32 v32, v17;
	v31 =	vadd.f32 v34, v31  }
0xa9: {  	v42 =	vld.idx.msk [tilespmem:v40+s2+$0x0], $0xffff  }
0xaa: {  	v43 =	vadd.s32 $0x2710, v21;
	v44 =	vmul.f32 v33, v16;
	v31 =	vadd.f32 v32, v31  }
0xab: {  	v45 =	vld.idx.msk [tilespmem:v41+s2+$0x0], $0xffff  }
0xac: {  	v46 =	vadd.s32 $0x2710, v26;
	v47 =	vmul.f32 v35, v10;
	v31 =	vadd.f32 v44, v31  }
0xad: {  	v48 =	vld.idx.msk [tilespmem:v38+s2+$0x0], $0xffff  }
0xae: {  	v49 =	vadd.s32 $0x2710, v25;
	v50 =	vmul.f32 v42, v12;
	v31 =	vadd.f32 v47, v31  }
0xaf: {  	v51 =	vld.idx.msk [tilespmem:v43+s2+$0x0], $0xffff  }
0xb0: {  	v52 =	vadd.s32 $0x2710, v27;
	v53 =	vmul.f32 v45, v9;
	v31 =	vadd.f32 v50, v31  }
0xb1: {  	v54 =	vld.idx.msk [tilespmem:v46+s2+$0x0], $0xffff  }
0xb2: {  	v55 =	vadd.s32 $0x2710, v29;
	v56 =	vmul.f32 v48, v8;
	v31 =	vadd.f32 v53, v31  }
0xb3: {  	v57 =	vld.idx.msk [tilespmem:v49+s2+$0x0], $0xffff  }
0xb4: {  	v58 =	vadd.s32 $0x2710, v28;
	v59 =	vmul.f32 v51, v3;
	v31 =	vadd.f32 v56, v31  }
0xb5: {  	v60 =	vld.idx.msk [tilespmem:v52+s2+$0x0], $0xffff  }
0xb6: {  	v61 =	vadd.s32 $0x2710, v30;
	v62 =	vmul.f32 v54, v2;
	v31 =	vadd.f32 v59, v31  }
0xb7: {  	v63 =	vld.idx.msk [tilespmem:v55+s2+$0x0], $0xffff  }
0xb8: {  	v37 =	vmul.f32 v57, v1;
	v31 =	vadd.f32 v62, v31  }
0xb9: {  	v39 =	vld.idx.msk [tilespmem:v58+s2+$0x0], $0xffff  }
0xba: {  	v40 =	vmul.f32 v60, v5;
	v31 =	vadd.f32 v37, v31  }
0xbb: {  	v41 =	vld.idx.msk [tilespmem:v61+s2+$0x0], $0xffff  }
0xbc: {  	v42 =	vmul.f32 v63, v4;
	v31 =	vadd.f32 v40, v31;
	_ =	sdelay $0x1  }
0xbd: {  	v43 =	vmul.f32 v39, v7;
	v31 =	vadd.f32 v42, v31;
	_ =	sdelay $0x1  }
0xbe: {  	v45 =	vadd.s32 $0x4E20, v13;
	v44 =	vmul.f32 v41, v6;
	v31 =	vadd.f32 v43, v31;
	_ =	sdelay $0x1  }
0xbf: {  	v46 =	vadd.s32 $0x4E20, v22;
	v31 =	vadd.f32 v44, v31;
	_ =	sdelay $0x1  }
0xc0: {  	v47 =	vadd.s32 $0x4E20, v19;
	[tilespmem:s21+$0x16B48] =	vst v31  }
0xc1: {  	v31 =	vld.idx.msk [tilespmem:v45+s2+$0x0], $0xffff  }
0xc2: {  	v48 =	vadd.s32 $0x4E20, v14  }
0xc3: {  	v34 =	vld.idx.msk [tilespmem:v46+s2+$0x0], $0xffff  }
0xc4: {  	v49 =	vadd.s32 $0x4E20, v15  }
0xc5: {  	v32 =	vld.idx.msk [tilespmem:v47+s2+$0x0], $0xffff  }
0xc6: {  	v50 =	vadd.s32 $0x4E20, v20;
	v31 =	vmul.f32 v31, v11  }
0xc7: {  	v33 =	vld.idx.msk [tilespmem:v48+s2+$0x0], $0xffff  }
0xc8: {  	v51 =	vadd.s32 $0x4E20, v23;
	v34 =	vmul.f32 v34, v18;
	v31 =	vadd.f32 $0.0e+00, v31  }
0xc9: {  	v35 =	vld.idx.msk [tilespmem:v49+s2+$0x0], $0xffff  }
0xca: {  	v52 =	vadd.s32 $0x4E20, v24;
	v32 =	vmul.f32 v32, v17;
	v31 =	vadd.f32 v34, v31  }
0xcb: {  	v53 =	vld.idx.msk [tilespmem:v50+s2+$0x0], $0xffff  }
0xcc: {  	v54 =	vadd.s32 $0x4E20, v21;
	v55 =	vmul.f32 v33, v16;
	v31 =	vadd.f32 v32, v31  }
0xcd: {  	v56 =	vld.idx.msk [tilespmem:v51+s2+$0x0], $0xffff  }
0xce: {  	v57 =	vadd.s32 $0x4E20, v26;
	v58 =	vmul.f32 v35, v10;
	v31 =	vadd.f32 v55, v31  }
0xcf: {  	v59 =	vld.idx.msk [tilespmem:v52+s2+$0x0], $0xffff  }
0xd0: {  	v60 =	vadd.s32 $0x4E20, v25;
	v61 =	vmul.f32 v53, v12;
	v31 =	vadd.f32 v58, v31  }
0xd1: {  	v62 =	vld.idx.msk [tilespmem:v54+s2+$0x0], $0xffff  }
0xd2: {  	v63 =	vadd.s32 $0x4E20, v27;
	v40 =	vmul.f32 v56, v9;
	v31 =	vadd.f32 v61, v31  }
0xd3: {  	v41 =	vld.idx.msk [tilespmem:v57+s2+$0x0], $0xffff  }
0xd4: {  	v42 =	vadd.s32 $0x4E20, v29;
	v43 =	vmul.f32 v59, v8;
	v31 =	vadd.f32 v40, v31  }
0xd5: {  	v44 =	vld.idx.msk [tilespmem:v60+s2+$0x0], $0xffff  }
0xd6: {  	v45 =	vadd.s32 $0x4E20, v28;
	v46 =	vmul.f32 v62, v3;
	v31 =	vadd.f32 v43, v31  }
0xd7: {  	v47 =	vld.idx.msk [tilespmem:v63+s2+$0x0], $0xffff  }
0xd8: {  	v48 =	vadd.s32 $0x4E20, v30;
	v49 =	vmul.f32 v41, v2;
	v31 =	vadd.f32 v46, v31  }
0xd9: {  	v50 =	vld.idx.msk [tilespmem:v42+s2+$0x0], $0xffff  }
0xda: {  	v51 =	vmul.f32 v44, v1;
	v31 =	vadd.f32 v49, v31  }
0xdb: {  	v52 =	vld.idx.msk [tilespmem:v45+s2+$0x0], $0xffff  }
0xdc: {  	v53 =	vmul.f32 v47, v5;
	v31 =	vadd.f32 v51, v31  }
0xdd: {  	v54 =	vld.idx.msk [tilespmem:v48+s2+$0x0], $0xffff  }
0xde: {  	v55 =	vmul.f32 v50, v4;
	v31 =	vadd.f32 v53, v31;
	_ =	sdelay $0x1  }
0xdf: {  	v56 =	vmul.f32 v52, v7;
	v31 =	vadd.f32 v55, v31;
	_ =	sdelay $0x1  }
0xe0: {  	v13 =	vadd.s32 $0x7530, v13;
	v57 =	vmul.f32 v54, v6;
	v31 =	vadd.f32 v56, v31;
	_ =	sdelay $0x1  }
0xe1: {  	v22 =	vadd.s32 $0x7530, v22;
	v31 =	vadd.f32 v57, v31;
	_ =	sdelay $0x1  }
0xe2: {  	v19 =	vadd.s32 $0x7530, v19;
	[tilespmem:s21+$0x16F30] =	vst v31  }
0xe3: {  	v13 =	vld.idx.msk [tilespmem:v13+s2+$0x0], $0xffff  }
0xe4: {  	v14 =	vadd.s32 $0x7530, v14  }
0xe5: {  	v22 =	vld.idx.msk [tilespmem:v22+s2+$0x0], $0xffff  }
0xe6: {  	v15 =	vadd.s32 $0x7530, v15  }
0xe7: {  	v19 =	vld.idx.msk [tilespmem:v19+s2+$0x0], $0xffff  }
0xe8: {  	v20 =	vadd.s32 $0x7530, v20;
	v11 =	vmul.f32 v13, v11  }
0xe9: {  	v58 =	vadd.s32 $0x7530, v24;
	v14 =	vld.idx.msk [tilespmem:v14+s2+$0x0], $0xffff  }
0xea: {  	v13 =	vadd.s32 $0x7530, v23;
	v18 =	vmul.f32 v22, v18;
	v11 =	vadd.f32 $0.0e+00, v11  }
0xeb: {  	v60 =	vadd.s32 $0x7530, v27;
	v15 =	vld.idx.msk [tilespmem:v15+s2+$0x0], $0xffff  }
0xec: {  	v59 =	vadd.s32 $0x7530, v26;
	v17 =	vmul.f32 v19, v17;
	v11 =	vadd.f32 v18, v11  }
0xed: {  	v19 =	vld.idx.msk [tilespmem:v20+s2+$0x0], $0xffff;
	v20 =	vadd.s32 $0x7530, v25  }
0xee: {  	v21 =	vadd.s32 $0x7530, v21;
	v14 =	vmul.f32 v14, v16;
	v23 =	vld.idx.msk [tilespmem:v58+s2+$0x0], $0xffff;
	v11 =	vadd.f32 v17, v11  }
0xef: {  	v61 =	vadd.s32 $0x7530, v29;
	v13 =	vld.idx.msk [tilespmem:v13+s2+$0x0], $0xffff  }
0xf0: {  	v62 =	vadd.s32 $0x7530, v28;
	v10 =	vmul.f32 v15, v10;
	v15 =	vld.idx.msk [tilespmem:v60+s2+$0x0], $0xffff;
	v11 =	vadd.f32 v14, v11  }
0xf1: {  	v63 =	vadd.s32 $0x7530, v30;
	v18 =	vld.idx.msk [tilespmem:v59+s2+$0x0], $0xffff  }
0xf2: {  	v16 =	vld.idx.msk [tilespmem:v20+s2+$0x0], $0xffff;
	v10 =	vadd.f32 v10, v11;
	v11 =	vmul.f32 v19, v12  }
0xf3: {  	v17 =	vld.idx.msk [tilespmem:v21+s2+$0x0], $0xffff  }
0xf4: {  	v14 =	vld.idx.msk [tilespmem:v61+s2+$0x0], $0xffff;
	v9 =	vmul.f32 v13, v9;
	v11 =	vadd.f32 v11, v10  }
0xf5: {  	v12 =	vld.idx.msk [tilespmem:v62+s2+$0x0], $0xffff  }
0xf6: {  	s22 =	simm.s32 $0x10;
	v8 =	vmul.f32 v23, v8;
	v10 =	vld.idx.msk [tilespmem:v63+s2+$0x0], $0xffff;
	v9 =	vadd.f32 v9, v11  }
.LBB2_3:
0xf7: {  	p0 =	sne.s32 s22, $0x3E0;
	s23 =	smov.u32 s22;
	s22 =	sadd.s32 $0x10, s22  }
0xf8: {  	v3 =	vmul.f32 v17, v3;
	v8 =	vadd.f32 v8, v9;
	_ =	sdelay $0x1  }
0xf9: {  	v2 =	vmul.f32 v18, v2;
	v3 =	vadd.f32 v3, v8;
	_ =	sdelay $0x1  }
0xfa: {  	s23 =	smin.u32 s23, $0x3D8;
	v2 =	vadd.f32 v2, v3;
	v3 =	vmul.f32 v16, v1  }
0xfb: {  	v1 =	vadd.s32 s23, v0  }
0xfc: {  	v8 =	vshll.u32 v1, $0x3;
	v2 =	vadd.f32 v3, v2;
	v3 =	vmul.f32 v15, v5  }
0xfd: {  	v9 =	vor.u32 $0x1, v8;
	v11 =	vor.u32 $0x2, v8  }
0xfe: {  	v13 =	vor.u32 $0x4, v8;
	v2 =	vadd.f32 v3, v2;
	v3 =	vmul.f32 v14, v4;
	_ =	sdelay $0x1  }
0xff: {  	v2 =	vadd.f32 v3, v2;
	v3 =	vmul.f32 v12, v7;
	_ =	sdelay $0x1  }
0x100: {  	v4 =	vor.u32 $0x3, v8;
	v2 =	vadd.f32 v3, v2;
	v3 =	vmul.f32 v10, v6;
	_ =	sdelay $0x1  }
0x101: {  	v2 =	vadd.f32 v3, v2;
	_ =	sdelay $0x1  }
0x102: {  	[tilespmem:s21+$0x17318] =	vst v2;
	s21 =	smov.u32 s23;
	_ =	sdelay $0x1  }
0x103: {  	v5 =	vld.idx.msk [tilespmem:v4+s12+$0x0], $0xffff  }
0x104: {  	v10 =	vld.idx.msk [tilespmem:v8+s12+$0x0], $0xffff  }
0x105: {  	v6 =	vld.idx.msk [tilespmem:v13+s12+$0x0], $0xffff  }
0x106: {  	v12 =	vld.idx.msk [tilespmem:v9+s12+$0x0], $0xffff  }
0x107: {  	v2 =	vld.idx.msk [tilespmem:v11+s13+$0x0], $0xffff  }
0x108: {  	v11 =	vld.idx.msk [tilespmem:v11+s12+$0x0], $0xffff  }
0x109: {  	v3 =	vld.idx.msk [tilespmem:v4+s13+$0x0], $0xffff  }
0x10a: {  	v7 =	vld.idx.msk [tilespmem:v8+s13+$0x0], $0xffff  }
0x10b: {  	v4 =	vld.idx.msk [tilespmem:v13+s13+$0x0], $0xffff;
	_ =	sdelay $0x1  }
0x10c: {  	v13 =	vld.idx.msk [tilespmem:v10+s2+$0x0], $0xffff  }
0x10d: {  	v8 =	vld.idx.msk [tilespmem:v9+s13+$0x0], $0xffff  }
0x10e: {  	v9 =	vld.idx.msk [tilespmem:v12+s2+$0x0], $0xffff;
	_ =	sdelay $0x1  }
0x10f: {  	v14 =	vld.idx.msk [tilespmem:v11+s2+$0x0], $0xffff;
	_ =	sdelay $0x1  }
0x110: {  	v13 =	vmul.f32 v13, v7;
	v15 =	vld.idx.msk [tilespmem:v5+s2+$0x0], $0xffff  }
0x111: {  	v16 =	vadd.s32 $0x2710, v12  }
0x112: {  	v13 =	vadd.f32 $0.0e+00, v13;
	v9 =	vmul.f32 v9, v8;
	v17 =	vld.idx.msk [tilespmem:v6+s2+$0x0], $0xffff  }
0x113: {  	v18 =	vadd.s32 $0x2710, v11  }
0x114: {  	v9 =	vadd.f32 v9, v13;
	v13 =	vmul.f32 v14, v2;
	_ =	sdelay $0x1  }
0x115: {  	v9 =	vadd.f32 v13, v9;
	v13 =	vmul.f32 v15, v3;
	_ =	sdelay $0x1  }
0x116: {  	v14 =	vadd.s32 $0x2710, v10;
	v9 =	vadd.f32 v13, v9;
	v13 =	vmul.f32 v17, v4;
	_ =	sdelay $0x1  }
0x117: {  	v9 =	vadd.f32 v13, v9;
	_ =	sdelay $0x1  }
0x118: {  	[tilespmem:s21+$0x157C0] =	vst v9  }
0x119: {  	v9 =	vld.idx.msk [tilespmem:v14+s2+$0x0], $0xffff  }
0x11a: {  	v13 =	vadd.s32 $0x2710, v5  }
0x11b: {  	v14 =	vld.idx.msk [tilespmem:v16+s2+$0x0], $0xffff  }
0x11c: {  	v15 =	vadd.s32 $0x2710, v6  }
0x11d: {  	v16 =	vld.idx.msk [tilespmem:v18+s2+$0x0], $0xffff;
	_ =	sdelay $0x1  }
0x11e: {  	v9 =	vmul.f32 v9, v7;
	v13 =	vld.idx.msk [tilespmem:v13+s2+$0x0], $0xffff;
	_ =	sdelay $0x1  }
0x11f: {  	v9 =	vadd.f32 $0.0e+00, v9;
	v14 =	vmul.f32 v14, v8;
	v15 =	vld.idx.msk [tilespmem:v15+s2+$0x0], $0xffff;
	_ =	sdelay $0x1  }
0x120: {  	v9 =	vadd.f32 v14, v9;
	v14 =	vmul.f32 v16, v2;
	_ =	sdelay $0x1  }
0x121: {  	v9 =	vadd.f32 v14, v9;
	v13 =	vmul.f32 v13, v3;
	_ =	sdelay $0x1  }
0x122: {  	v14 =	vadd.s32 $0x4E20, v10;
	v9 =	vadd.f32 v13, v9;
	v13 =	vmul.f32 v15, v4;
	_ =	sdelay $0x1  }
0x123: {  	v9 =	vadd.f32 v13, v9;
	v13 =	vadd.s32 $0x4E20, v12;
	_ =	sdelay $0x1  }
0x124: {  	[tilespmem:s21+$0x15BA8] =	vst v9;
	v9 =	vadd.s32 $0x4E20, v11  }
0x125: {  	v14 =	vld.idx.msk [tilespmem:v14+s2+$0x0], $0xffff  }
0x126: {  	v15 =	vadd.s32 $0x4E20, v5  }
0x127: {  	v13 =	vld.idx.msk [tilespmem:v13+s2+$0x0], $0xffff  }
0x128: {  	v16 =	vadd.s32 $0x4E20, v6  }
0x129: {  	v9 =	vld.idx.msk [tilespmem:v9+s2+$0x0], $0xffff;
	_ =	sdelay $0x1  }
0x12a: {  	v14 =	vmul.f32 v14, v7;
	v15 =	vld.idx.msk [tilespmem:v15+s2+$0x0], $0xffff;
	_ =	sdelay $0x1  }
0x12b: {  	v14 =	vadd.f32 $0.0e+00, v14;
	v13 =	vmul.f32 v13, v8;
	v16 =	vld.idx.msk [tilespmem:v16+s2+$0x0], $0xffff;
	_ =	sdelay $0x1  }
0x12c: {  	v13 =	vadd.f32 v13, v14;
	v9 =	vmul.f32 v9, v2;
	_ =	sdelay $0x1  }
0x12d: {  	v9 =	vadd.f32 v9, v13;
	v13 =	vmul.f32 v15, v3;
	_ =	sdelay $0x1  }
0x12e: {  	v10 =	vadd.s32 $0x7530, v10;
	v9 =	vadd.f32 v13, v9;
	v13 =	vmul.f32 v16, v4  }
0x12f: {  	v12 =	vadd.s32 $0x7530, v12  }
0x130: {  	v9 =	vadd.f32 v13, v9;
	_ =	sdelay $0x1  }
0x131: {  	[tilespmem:s21+$0x15F90] =	vst v9;
	v9 =	vadd.s32 $0x7530, v11  }
0x132: {  	v10 =	vld.idx.msk [tilespmem:v10+s2+$0x0], $0xffff  }
0x133: {  	v5 =	vadd.s32 $0x7530, v5;
	v11 =	vld.idx.msk [tilespmem:v12+s2+$0x0], $0xffff;
	_ =	sdelay $0x1  }
0x134: {  	v6 =	vadd.s32 $0x7530, v6  }
0x135: {  	v9 =	vld.idx.msk [tilespmem:v9+s2+$0x0], $0xffff;
	_ =	sdelay $0x1  }
0x136: {  	v7 =	vmul.f32 v10, v7;
	v5 =	vld.idx.msk [tilespmem:v5+s2+$0x0], $0xffff  }
0x137: {  	v8 =	vmul.f32 v11, v8  }
0x138: {  	v7 =	vadd.f32 $0.0e+00, v7;
	v6 =	vld.idx.msk [tilespmem:v6+s2+$0x0], $0xffff;
	_ =	sdelay $0x1  }
0x139: {  	v7 =	vadd.f32 v8, v7;
	v2 =	vmul.f32 v9, v2;
	_ =	sdelay $0x1  }
0x13a: {  	v2 =	vadd.f32 v2, v7;
	v3 =	vmul.f32 v5, v3;
	_ =	sdelay $0x1  }
0x13b: {  	v2 =	vadd.f32 v3, v2;
	v3 =	vmul.f32 v6, v4;
	v4 =	vshll.u32 v1, $0x4;
	_ =	sdelay $0x1  }
0x13c: {  	v5 =	vor.u32 $0xA, v4;
	v1 =	vadd.f32 v3, v2  }
0x13d: {  	v6 =	vor.u32 $0x3, v4  }
0x13e: {  	v7 =	vor.u32 $0x4, v4;
	[tilespmem:s21+$0x16378] =	vst v1  }
0x13f: {  	v25 =	vor.u32 $0x9, v4;
	v14 =	vld.idx.msk [tilespmem:v4+s14+$0x0], $0xffff  }
0x140: {  	v13 =	vor.u32 $0x8, v4;
	v10 =	vld.idx.msk [tilespmem:v4+s15+$0x0], $0xffff  }
0x141: {  	v23 =	vor.u32 $0x7, v4;
	v1 =	vld.idx.msk [tilespmem:v5+s15+$0x0], $0xffff  }
0x142: {  	v17 =	vld.idx.msk [tilespmem:v6+s14+$0x0], $0xffff  }
0x143: {  	v12 =	vor.u32 $0x2, v4;
	v18 =	vld.idx.msk [tilespmem:v7+s14+$0x0], $0xffff  }
0x144: {  	v15 =	vor.u32 $0x1, v4;
	v2 =	vld.idx.msk [tilespmem:v25+s15+$0x0], $0xffff  }
0x145: {  	v3 =	vld.idx.msk [tilespmem:v13+s15+$0x0], $0xffff  }
0x146: {  	v8 =	vld.idx.msk [tilespmem:v23+s15+$0x0], $0xffff  }
0x147: {  	v22 =	vor.u32 $0x6, v4;
	v16 =	vld.idx.msk [tilespmem:v14+s2+$0x0], $0xffff  }
0x148: {  	v19 =	vld.idx.msk [tilespmem:v12+s14+$0x0], $0xffff  }
0x149: {  	v20 =	vld.idx.msk [tilespmem:v15+s14+$0x0], $0xffff  }
0x14a: {  	v26 =	vor.u32 $0x5, v4;
	v27 =	vld.idx.msk [tilespmem:v17+s2+$0x0], $0xffff  }
0x14b: {  	v28 =	vld.idx.msk [tilespmem:v18+s2+$0x0], $0xffff  }
0x14c: {  	v9 =	vld.idx.msk [tilespmem:v22+s15+$0x0], $0xffff  }
0x14d: {  	v11 =	vld.idx.msk [tilespmem:v7+s15+$0x0], $0xffff;
	v7 =	vmul.f32 v16, v10  }
0x14e: {  	v15 =	vld.idx.msk [tilespmem:v15+s15+$0x0], $0xffff  }
0x14f: {  	v21 =	vld.idx.msk [tilespmem:v26+s14+$0x0], $0xffff  }
0x150: {  	v29 =	vld.idx.msk [tilespmem:v19+s2+$0x0], $0xffff  }
0x151: {  	v30 =	vld.idx.msk [tilespmem:v20+s2+$0x0], $0xffff  }
0x152: {  	v16 =	vld.idx.msk [tilespmem:v12+s15+$0x0], $0xffff  }
0x153: {  	v22 =	vld.idx.msk [tilespmem:v22+s14+$0x0], $0xffff  }
0x154: {  	v12 =	vld.idx.msk [tilespmem:v6+s15+$0x0], $0xffff  }
0x155: {  	v24 =	vld.idx.msk [tilespmem:v23+s14+$0x0], $0xffff  }
0x156: {  	v23 =	vld.idx.msk [tilespmem:v13+s14+$0x0], $0xffff  }
0x157: {  	v7 =	vadd.f32 $0.0e+00, v7;
	v6 =	vor.u32 $0xB, v4;
	v30 =	vmul.f32 v30, v15;
	v31 =	vld.idx.msk [tilespmem:v21+s2+$0x0], $0xffff  }
0x158: {  	v13 =	vld.idx.msk [tilespmem:v26+s15+$0x0], $0xffff  }
0x159: {  	v29 =	vmul.f32 v29, v16;
	v7 =	vadd.f32 v30, v7;
	v25 =	vld.idx.msk [tilespmem:v25+s14+$0x0], $0xffff  }
0x15a: {  	v32 =	vor.u32 $0xC, v4;
	v26 =	vld.idx.msk [tilespmem:v5+s14+$0x0], $0xffff  }
0x15b: {  	v33 =	vor.u32 $0xD, v4;
	v5 =	vadd.f32 v29, v7;
	v7 =	vmul.f32 v27, v12;
	v30 =	vld.idx.msk [tilespmem:v22+s2+$0x0], $0xffff  }
0x15c: {  	v27 =	vld.idx.msk [tilespmem:v6+s14+$0x0], $0xffff  }
0x15d: {  	v5 =	vadd.f32 v7, v5;
	v7 =	vmul.f32 v28, v11;
	v34 =	vld.idx.msk [tilespmem:v24+s2+$0x0], $0xffff  }
0x15e: {  	v35 =	vor.u32 $0xE, v4;
	v4 =	vld.idx.msk [tilespmem:v23+s2+$0x0], $0xffff  }
0x15f: {  	v5 =	vadd.f32 v7, v5;
	v7 =	vmul.f32 v31, v13;
	v29 =	vld.idx.msk [tilespmem:v32+s14+$0x0], $0xffff  }
0x160: {  	v28 =	vld.idx.msk [tilespmem:v33+s14+$0x0], $0xffff  }
0x161: {  	v5 =	vadd.f32 v7, v5;
	v7 =	vmul.f32 v30, v9;
	v31 =	vld.idx.msk [tilespmem:v25+s2+$0x0], $0xffff  }
0x162: {  	v36 =	vld.idx.msk [tilespmem:v26+s2+$0x0], $0xffff  }
0x163: {  	v7 =	vadd.f32 v7, v5;
	v34 =	vmul.f32 v34, v8;
	v30 =	vld.idx.msk [tilespmem:v35+s14+$0x0], $0xffff  }
0x164: {  	v37 =	vld.idx.msk [tilespmem:v27+s2+$0x0], $0xffff  }
0x165: {  	v5 =	vld.idx.msk [tilespmem:v6+s15+$0x0], $0xffff;
	v6 =	vadd.f32 v34, v7;
	v7 =	vmul.f32 v4, v3  }
0x166: {  	v4 =	vld.idx.msk [tilespmem:v32+s15+$0x0], $0xffff  }
0x167: {  	v31 =	vmul.f32 v31, v2;
	v6 =	vadd.f32 v7, v6;
	v32 =	vld.idx.msk [tilespmem:v29+s2+$0x0], $0xffff  }
0x168: {  	v34 =	vld.idx.msk [tilespmem:v28+s2+$0x0], $0xffff  }
0x169: {  	v7 =	vld.idx.msk [tilespmem:v33+s15+$0x0], $0xffff;
	v31 =	vadd.f32 v31, v6;
	v33 =	vmul.f32 v36, v1  }
0x16a: {  	v6 =	vld.idx.msk [tilespmem:v35+s15+$0x0], $0xffff  }
0x16b: {  	v31 =	vadd.f32 v33, v31;
	v33 =	vmul.f32 v37, v5;
	v35 =	vld.idx.msk [tilespmem:v30+s2+$0x0], $0xffff;
	_ =	sdelay $0x1  }
0x16c: {  	v32 =	vmul.f32 v32, v4;
	v31 =	vadd.f32 v33, v31;
	_ =	sdelay $0x1  }
0x16d: {  	v31 =	vadd.f32 v32, v31;
	v32 =	vmul.f32 v34, v7;
	_ =	sdelay $0x1  }
0x16e: {  	v33 =	vadd.s32 $0x2710, v14;
	v31 =	vadd.f32 v32, v31;
	v32 =	vmul.f32 v35, v6  }
0x16f: {  	v34 =	vadd.s32 $0x2710, v20  }
0x170: {  	v31 =	vadd.f32 v32, v31;
	v32 =	vadd.s32 $0x2710, v19  }
0x171: {  	v35 =	vadd.s32 $0x2710, v17  }
0x172: {  	[tilespmem:s21+$0x16760] =	vst v31;
	v31 =	vadd.s32 $0x2710, v18  }
0x173: {  	v36 =	vadd.s32 $0x2710, v21;
	v33 =	vld.idx.msk [tilespmem:v33+s2+$0x0], $0xffff  }
0x174: {  	v37 =	vadd.s32 $0x2710, v22;
	v34 =	vld.idx.msk [tilespmem:v34+s2+$0x0], $0xffff  }
0x175: {  	v38 =	vadd.s32 $0x2710, v24;
	v32 =	vld.idx.msk [tilespmem:v32+s2+$0x0], $0xffff  }
0x176: {  	v39 =	vadd.s32 $0x2710, v23;
	v35 =	vld.idx.msk [tilespmem:v35+s2+$0x0], $0xffff  }
0x177: {  	v40 =	vadd.s32 $0x2710, v25;
	v31 =	vld.idx.msk [tilespmem:v31+s2+$0x0], $0xffff  }
0x178: {  	v41 =	vadd.s32 $0x2710, v26;
	v36 =	vld.idx.msk [tilespmem:v36+s2+$0x0], $0xffff  }
0x179: {  	v42 =	vadd.s32 $0x2710, v27;
	v33 =	vmul.f32 v33, v10;
	v37 =	vld.idx.msk [tilespmem:v37+s2+$0x0], $0xffff  }
0x17a: {  	v43 =	vadd.s32 $0x2710, v29;
	v38 =	vld.idx.msk [tilespmem:v38+s2+$0x0], $0xffff  }
0x17b: {  	v44 =	vadd.s32 $0x2710, v28;
	v34 =	vmul.f32 v34, v15;
	v33 =	vadd.f32 $0.0e+00, v33;
	v39 =	vld.idx.msk [tilespmem:v39+s2+$0x0], $0xffff  }
0x17c: {  	v45 =	vadd.s32 $0x2710, v30;
	v40 =	vld.idx.msk [tilespmem:v40+s2+$0x0], $0xffff  }
0x17d: {  	v32 =	vmul.f32 v32, v16;
	v33 =	vadd.f32 v34, v33;
	v34 =	vld.idx.msk [tilespmem:v41+s2+$0x0], $0xffff  }
0x17e: {  	v41 =	vld.idx.msk [tilespmem:v42+s2+$0x0], $0xffff  }
0x17f: {  	v32 =	vadd.f32 v32, v33;
	v33 =	vmul.f32 v35, v12;
	v35 =	vld.idx.msk [tilespmem:v43+s2+$0x0], $0xffff  }
0x180: {  	v42 =	vld.idx.msk [tilespmem:v44+s2+$0x0], $0xffff  }
0x181: {  	v31 =	vmul.f32 v31, v11;
	v32 =	vadd.f32 v33, v32;
	v33 =	vld.idx.msk [tilespmem:v45+s2+$0x0], $0xffff;
	_ =	sdelay $0x1  }
0x182: {  	v31 =	vadd.f32 v31, v32;
	v32 =	vmul.f32 v36, v13;
	_ =	sdelay $0x1  }
0x183: {  	v31 =	vadd.f32 v32, v31;
	v32 =	vmul.f32 v37, v9;
	_ =	sdelay $0x1  }
0x184: {  	v31 =	vadd.f32 v32, v31;
	v32 =	vmul.f32 v38, v8;
	_ =	sdelay $0x1  }
0x185: {  	v31 =	vadd.f32 v32, v31;
	v32 =	vmul.f32 v39, v3;
	_ =	sdelay $0x1  }
0x186: {  	v31 =	vadd.f32 v32, v31;
	v32 =	vmul.f32 v40, v2;
	_ =	sdelay $0x1  }
0x187: {  	v31 =	vadd.f32 v32, v31;
	v32 =	vmul.f32 v34, v1;
	_ =	sdelay $0x1  }
0x188: {  	v31 =	vadd.f32 v32, v31;
	v32 =	vmul.f32 v41, v5;
	_ =	sdelay $0x1  }
0x189: {  	v31 =	vadd.f32 v32, v31;
	v32 =	vmul.f32 v35, v4;
	_ =	sdelay $0x1  }
0x18a: {  	v31 =	vadd.f32 v32, v31;
	v32 =	vmul.f32 v42, v7;
	_ =	sdelay $0x1  }
0x18b: {  	v31 =	vadd.f32 v32, v31;
	v32 =	vmul.f32 v33, v6;
	v33 =	vadd.s32 $0x4E20, v14  }
0x18c: {  	v34 =	vadd.s32 $0x4E20, v20  }
0x18d: {  	v31 =	vadd.f32 v32, v31;
	v32 =	vadd.s32 $0x4E20, v19  }
0x18e: {  	v35 =	vadd.s32 $0x4E20, v17  }
0x18f: {  	[tilespmem:s21+$0x16B48] =	vst v31;
	v31 =	vadd.s32 $0x4E20, v18  }
0x190: {  	v36 =	vadd.s32 $0x4E20, v21;
	v33 =	vld.idx.msk [tilespmem:v33+s2+$0x0], $0xffff  }
0x191: {  	v37 =	vadd.s32 $0x4E20, v22;
	v34 =	vld.idx.msk [tilespmem:v34+s2+$0x0], $0xffff  }
0x192: {  	v38 =	vadd.s32 $0x4E20, v24;
	v32 =	vld.idx.msk [tilespmem:v32+s2+$0x0], $0xffff  }
0x193: {  	v39 =	vadd.s32 $0x4E20, v23;
	v35 =	vld.idx.msk [tilespmem:v35+s2+$0x0], $0xffff  }
0x194: {  	v40 =	vadd.s32 $0x4E20, v25;
	v31 =	vld.idx.msk [tilespmem:v31+s2+$0x0], $0xffff  }
0x195: {  	v41 =	vadd.s32 $0x4E20, v26;
	v36 =	vld.idx.msk [tilespmem:v36+s2+$0x0], $0xffff  }
0x196: {  	v42 =	vadd.s32 $0x4E20, v27;
	v33 =	vmul.f32 v33, v10;
	v37 =	vld.idx.msk [tilespmem:v37+s2+$0x0], $0xffff  }
0x197: {  	v43 =	vadd.s32 $0x4E20, v29;
	v38 =	vld.idx.msk [tilespmem:v38+s2+$0x0], $0xffff  }
0x198: {  	v44 =	vadd.s32 $0x4E20, v28;
	v34 =	vmul.f32 v34, v15;
	v33 =	vadd.f32 $0.0e+00, v33;
	v39 =	vld.idx.msk [tilespmem:v39+s2+$0x0], $0xffff  }
0x199: {  	v45 =	vadd.s32 $0x4E20, v30;
	v40 =	vld.idx.msk [tilespmem:v40+s2+$0x0], $0xffff  }
0x19a: {  	v32 =	vmul.f32 v32, v16;
	v33 =	vadd.f32 v34, v33;
	v34 =	vld.idx.msk [tilespmem:v41+s2+$0x0], $0xffff  }
0x19b: {  	v41 =	vld.idx.msk [tilespmem:v42+s2+$0x0], $0xffff  }
0x19c: {  	v32 =	vadd.f32 v32, v33;
	v33 =	vmul.f32 v35, v12;
	v35 =	vld.idx.msk [tilespmem:v43+s2+$0x0], $0xffff  }
0x19d: {  	v42 =	vld.idx.msk [tilespmem:v44+s2+$0x0], $0xffff  }
0x19e: {  	v31 =	vmul.f32 v31, v11;
	v32 =	vadd.f32 v33, v32;
	v33 =	vld.idx.msk [tilespmem:v45+s2+$0x0], $0xffff;
	_ =	sdelay $0x1  }
0x19f: {  	v31 =	vadd.f32 v31, v32;
	v32 =	vmul.f32 v36, v13;
	_ =	sdelay $0x1  }
0x1a0: {  	v31 =	vadd.f32 v32, v31;
	v32 =	vmul.f32 v37, v9;
	_ =	sdelay $0x1  }
0x1a1: {  	v31 =	vadd.f32 v32, v31;
	v32 =	vmul.f32 v38, v8;
	_ =	sdelay $0x1  }
0x1a2: {  	v31 =	vadd.f32 v32, v31;
	v32 =	vmul.f32 v39, v3;
	_ =	sdelay $0x1  }
0x1a3: {  	v31 =	vadd.f32 v32, v31;
	v32 =	vmul.f32 v40, v2;
	_ =	sdelay $0x1  }
0x1a4: {  	v31 =	vadd.f32 v32, v31;
	v32 =	vmul.f32 v34, v1;
	_ =	sdelay $0x1  }
0x1a5: {  	v31 =	vadd.f32 v32, v31;
	v32 =	vmul.f32 v41, v5;
	_ =	sdelay $0x1  }
0x1a6: {  	v31 =	vadd.f32 v32, v31;
	v32 =	vmul.f32 v35, v4;
	_ =	sdelay $0x1  }
0x1a7: {  	v31 =	vadd.f32 v32, v31;
	v32 =	vmul.f32 v42, v7;
	_ =	sdelay $0x1  }
0x1a8: {  	v14 =	vadd.s32 $0x7530, v14;
	v31 =	vadd.f32 v32, v31;
	v32 =	vmul.f32 v33, v6  }
0x1a9: {  	v20 =	vadd.s32 $0x7530, v20  }
0x1aa: {  	v19 =	vadd.s32 $0x7530, v19;
	v31 =	vadd.f32 v32, v31  }
0x1ab: {  	v17 =	vadd.s32 $0x7530, v17  }
0x1ac: {  	v18 =	vadd.s32 $0x7530, v18;
	[tilespmem:s21+$0x16F30] =	vst v31  }
0x1ad: {  	v21 =	vadd.s32 $0x7530, v21;
	v14 =	vld.idx.msk [tilespmem:v14+s2+$0x0], $0xffff  }
0x1ae: {  	v22 =	vadd.s32 $0x7530, v22;
	v20 =	vld.idx.msk [tilespmem:v20+s2+$0x0], $0xffff  }
0x1af: {  	v24 =	vadd.s32 $0x7530, v24;
	v19 =	vld.idx.msk [tilespmem:v19+s2+$0x0], $0xffff  }
0x1b0: {  	v31 =	vld.idx.msk [tilespmem:v17+s2+$0x0], $0xffff;
	v17 =	vadd.s32 $0x7530, v23  }
0x1b1: {  	v23 =	vld.idx.msk [tilespmem:v18+s2+$0x0], $0xffff;
	v18 =	vadd.s32 $0x7530, v25  }
0x1b2: {  	v25 =	vadd.s32 $0x7530, v26;
	v21 =	vld.idx.msk [tilespmem:v21+s2+$0x0], $0xffff  }
0x1b3: {  	v10 =	vmul.f32 v14, v10;
	v14 =	vadd.s32 $0x7530, v27;
	v22 =	vld.idx.msk [tilespmem:v22+s2+$0x0], $0xffff  }
0x1b4: {  	v26 =	vadd.s32 $0x7530, v29;
	v24 =	vld.idx.msk [tilespmem:v24+s2+$0x0], $0xffff  }
0x1b5: {  	v15 =	vmul.f32 v20, v15;
	v20 =	vadd.s32 $0x7530, v28;
	v10 =	vadd.f32 $0.0e+00, v10;
	v17 =	vld.idx.msk [tilespmem:v17+s2+$0x0], $0xffff  }
0x1b6: {  	v27 =	vadd.s32 $0x7530, v30;
	v18 =	vld.idx.msk [tilespmem:v18+s2+$0x0], $0xffff  }
0x1b7: {  	v19 =	vmul.f32 v19, v16;
	v10 =	vadd.f32 v15, v10;
	v16 =	vld.idx.msk [tilespmem:v25+s2+$0x0], $0xffff  }
0x1b8: {  	v15 =	vld.idx.msk [tilespmem:v14+s2+$0x0], $0xffff  }
0x1b9: {  	v10 =	vadd.f32 v19, v10;
	v19 =	vmul.f32 v31, v12;
	v14 =	vld.idx.msk [tilespmem:v26+s2+$0x0], $0xffff  }
0x1ba: {  	v12 =	vld.idx.msk [tilespmem:v20+s2+$0x0], $0xffff  }
0x1bb: {  	v11 =	vmul.f32 v23, v11;
	v19 =	vadd.f32 v19, v10;
	v10 =	vld.idx.msk [tilespmem:v27+s2+$0x0], $0xffff;
	_ =	sdelay $0x1  }
.Ltmp1:
0x1bc: {  	v13 =	vmul.f32 v21, v13;
	v11 =	vadd.f32 v11, v19;
	(pc) =	sbr.rel @p0 .LBB2_3-.Ltmp1, $3  }
0x1bd: {  	_ = 	snop  }
0x1be: {  	v9 =	vmul.f32 v22, v9;
	v11 =	vadd.f32 v13, v11;
	_ =	sdelay $0x1  }
0x1bf: {  	v8 =	vmul.f32 v24, v8;
	v9 =	vadd.f32 v9, v11  }
0x1c0: {  	_ = 	snop  }
0x1c1: {  	v3 =	vmul.f32 v17, v3;
	v8 =	vadd.f32 v8, v9;
	_ =	sdelay $0x1  }
0x1c2: {  	v2 =	vmul.f32 v18, v2;
	v3 =	vadd.f32 v3, v8;
	_ =	sdelay $0x1  }
0x1c3: {  	v1 =	vmul.f32 v16, v1;
	v2 =	vadd.f32 v2, v3;
	_ =	sdelay $0x1  }
0x1c4: {  	v1 =	vadd.f32 v1, v2;
	v2 =	vmul.f32 v15, v5;
	_ =	sdelay $0x1  }
0x1c5: {  	v1 =	vadd.f32 v2, v1;
	v2 =	vmul.f32 v14, v4;
	_ =	sdelay $0x1  }
0x1c6: {  	v1 =	vadd.f32 v2, v1;
	v2 =	vmul.f32 v12, v7;
	_ =	sdelay $0x1  }
0x1c7: {  	v1 =	vadd.f32 v2, v1;
	v2 =	vmul.f32 v10, v6;
	_ =	sdelay $0x1  }
0x1c8: {  	v1 =	vadd.f32 v2, v1;
	_ =	sdelay $0x1  }
0x1c9: {  	[tilespmem:s21+$0x17318] =	vst v1  }
0x1ca: {  	[hbm4b:s7+s16] =	stream.strided.scatter [tilespmem:s18], [sflag:$0x1], $0xFA0, s17, s16, $0x38;
	[tilespmem:$0x17700] =	vst v63  }
0x1cb: {  	s20 =	sadd.s32 $0x1, s20;
	_ =	swait.ge [sflag:s11], $0xFA0  }
0x1cc: {  	p0 =	sne.s32 s20, s10;
	[sflag:s11] =	ssyncset.done $0x0  }
.Ltmp2:
0x1cd: {  	[sflag:s11] =	ssyncadd.s32 $0xFFFFF060;
	(pc) =	sbr.rel @p0 .LBB2_2-.Ltmp2, $4  }
0x1ce: {  	[hbm4b:s8+s16] =	stream.strided.scatter [tilespmem:s19], [sflag:$0x1], $0xFA0, s17, s16, $0x38;
	[tilespmem:$0x17700] =	vst v63  }
0x1cf: {  	_ =	swait.ge [sflag:s11], $0xFA0  }
0x1d0: {  	[sflag:s11] =	ssyncset.done $0x0  }
0x1d1: {  	[sflag:s11] =	ssyncadd.s32 $0xFFFFF060  }
.LBB2_5:
0x1d2: {  	_ =	sfence.sel $0x180000  }
0x1d3: {  	[bflag:$0x0] =	sbarrier.arrive $0xFFFF  }
0x1d4: {  	p0 =	sne.s32 s1, $0x0;
	_ =	strace $0x90000047  }
0x1d5: {  	s0 =	sadd.s32 @!p0 $0x100000, s0;
	[bflag:$0x2] =	sbarrier.arrive $0xFFFF  }
0x1d6: {  	[sflag:s0] =	ssyncadd.tile.s32 @!p0 $0x1;
	_ =	shalt  }
.Lfunc_end2:
_tile_overlayer_lowered:
.L_overlay_start_2:
0x1d7: {  	(tag) =	ssettag $0x2  }
0x1d8: {  	s0 =	rddreg [dreg:$0x0];
	s2 =	stileid.u32  }
0x1d9: {  	s1 =	rddreg [dreg:$0x1];
	p0 =	sne.s32 s2, $0x0  }
0x1da: {  	s3 =	rddreg [dreg:$0x2];
	[bflag:$0x3] =	sbarrier.arrive $0xFFFF;
	s2 =	simm.s32 @!p0 $0x1C01  }
0x1db: {  	[timem:s3], [sflag:s2] =	dma.local @!p0 [hbm:s0], s1  }
0x1dc: {  	s0 =	simm.s32 @!p0 $0x1  }
0x1dd: {  	_ =	swait.ge @!p0 [sflag:s0], s1  }
0x1de: {  	s1 =	ssub.s32 @!p0 $0x0, s1;
	[sflag:s0] =	ssyncset.done @!p0 $0x0  }
0x1df: {  	[sflag:s0] =	ssyncadd.s32 @!p0 s1  }
0x1e0: {  	[bflag:$0x3] =	sbarrier.arrive $0xFFFF  }
0x1e1: {  	_ =	shalt  }

</sc_bundles>
